<compile_context>
chip_gen: v7x
topology: tpu7x:2x2x1
jax: 0.10.2.dev20260603
libtpu: 0.0.44.dev20260713+nightly
codegen_flags: <defaults>
</compile_context>

<pallas_src>
import functools

import jax
import jax.numpy as jnp
from jax import lax
from jax.experimental import pallas as pl
from jax.experimental.pallas import tpu as pltpu
from jax.experimental.pallas import tpu_sc as plsc

BN_EPS = 1e-5
_NC = 2
_NS = 16
_CH = 128


def _sc_scatter_add(x, src, dst):
    n, d = x.shape
    e = src.shape[0]
    nw = _NC * _NS
    epw = e // nw
    assert epw * nw == e and epw % 8 == 0
    n_full = epw // _CH
    tail = epw - n_full * _CH
    assert tail % 8 == 0
    rpt = (n // _NS) & ~7
    last = n - rpt * (_NS - 1)

    mesh = plsc.VectorSubcoreMesh(
        core_axis_name="c", subcore_axis_name="s", num_cores=_NC,
        num_subcores=_NS)

    scratch = [
        pltpu.VMEM((_CH,), jnp.int32),
        pltpu.VMEM((_CH,), jnp.int32),
        pltpu.VMEM((_CH, d), jnp.float32),
        pltpu.VMEM_SHARED((n, d), jnp.float32),
        pltpu.SemaphoreType.DMA,
    ]
    if tail:
        scratch += [
            pltpu.VMEM((tail,), jnp.int32),
            pltpu.VMEM((tail,), jnp.int32),
            pltpu.VMEM((tail, d), jnp.float32),
        ]

    @functools.partial(
        pl.kernel, mesh=mesh,
        out_type=jax.ShapeDtypeStruct((_NC, n, d), jnp.float32),
        scratch_types=scratch,
    )
    def sc_body(x_hbm, src_hbm, dst_hbm, out_hbm, si, di, rows, agg, sem,
                *tail_bufs):
        cid = lax.axis_index("c")
        sid = lax.axis_index("s")
        wid = sid * _NC + cid

        @pl.when(sid < _NS - 1)
        def _():
            r0 = sid * rpt
            pltpu.sync_copy(x_hbm.at[pl.ds(r0, rpt)], agg.at[pl.ds(r0, rpt)])

        @pl.when(sid == _NS - 1)
        def _():
            r0 = (_NS - 1) * rpt
            pltpu.sync_copy(x_hbm.at[pl.ds(r0, last)], agg.at[pl.ds(r0, last)])

        plsc.subcore_barrier()

        base0 = wid * epw

        def body(i, carry):
            b = base0 + i * _CH
            pltpu.sync_copy(src_hbm.at[pl.ds(b, _CH)], si)
            dsc = pltpu.async_copy(x_hbm.at[si], rows, sem)
            pltpu.sync_copy(dst_hbm.at[pl.ds(b, _CH)], di)
            dsc.wait()
            pltpu.sync_copy(rows, agg.at[di], add=True)
            return carry

        lax.fori_loop(0, n_full, body, 0)
        if tail:
            sit, dit, rowst = tail_bufs
            b = base0 + n_full * _CH
            pltpu.sync_copy(src_hbm.at[pl.ds(b, tail)], sit)
            dsc = pltpu.async_copy(x_hbm.at[sit], rowst, sem)
            pltpu.sync_copy(dst_hbm.at[pl.ds(b, tail)], dit)
            dsc.wait()
            pltpu.sync_copy(rowst, agg.at[dit], add=True)
        plsc.subcore_barrier()

        @pl.when(sid < _NS - 1)
        def _():
            r0 = sid * rpt
            pltpu.sync_copy(agg.at[pl.ds(r0, rpt)],
                            out_hbm.at[cid, pl.ds(r0, rpt)])

        @pl.when(sid == _NS - 1)
        def _():
            r0 = (_NS - 1) * rpt
            pltpu.sync_copy(agg.at[pl.ds(r0, last)],
                            out_hbm.at[cid, pl.ds(r0, last)])

    return sc_body(x, src, dst)


def _mlp_bn_relu(h0, Wa, ba, Wb, bb, g, be):
    hp = jax.lax.Precision.HIGHEST
    h = jnp.dot(h0, Wa, precision=hp) + ba
    h = jnp.maximum(h, 0.0)
    h = jnp.dot(h, Wb, precision=hp) + bb
    mean = jnp.mean(h, axis=0, keepdims=True)
    var = jnp.mean((h - mean) ** 2, axis=0, keepdims=True)
    h = g * (h - mean) / jnp.sqrt(var + BN_EPS) + be
    return jnp.maximum(h, 0.0)


def _tc_layer(x, agg, Wa, ba, Wb, bb, g, be):
    n, d = x.shape
    h = Wa.shape[1]

    def body(x_ref, agg_ref, wa, ba_r, wb, bb_r, g_r, be_r, o_ref):
        h0 = agg_ref[0] + agg_ref[1] - x_ref[...]
        o_ref[...] = _mlp_bn_relu(h0, wa[...], ba_r[...], wb[...], bb_r[...],
                                  g_r[...], be_r[...])

    return pl.pallas_call(
        body,
        out_shape=jax.ShapeDtypeStruct((n, h), jnp.float32),
    )(x, agg, Wa, ba, Wb, bb, g, be)


def _tc_final(x, agg, batch, Wa, ba, Wb, bb, g, be, Wl, bl, num_graphs):
    n, d = x.shape
    out_dim = Wl.shape[1]

    def body(x_ref, agg_ref, batch_ref, wa, ba_r, wb, bb_r, g_r, be_r,
             wl, bl_r, o_ref):
        h0 = agg_ref[0] + agg_ref[1] - x_ref[...]
        h2 = _mlp_bn_relu(h0, wa[...], ba_r[...], wb[...], bb_r[...],
                          g_r[...], be_r[...])
        seg = batch_ref[...]
        gids = lax.broadcasted_iota(jnp.int32, (num_graphs, n), 0)
        ind = (seg[None, :] == gids).astype(jnp.float32)
        hp = jax.lax.Precision.HIGHEST
        pooled = jnp.dot(ind, h2, precision=hp)
        o_ref[...] = jnp.dot(pooled, wl[...], precision=hp) + bl_r[...]

    return pl.pallas_call(
        body,
        out_shape=jax.ShapeDtypeStruct((num_graphs, out_dim), jnp.float32),
    )(x, agg, batch, Wa, ba, Wb, bb, g, be, Wl, bl)


def kernel(x, edge_index, batch, W1a, b1a, W1b, b1b, g1, be1, W2a, b2a, W2b,
           b2b, g2, be2, Wl, bl):
    src = edge_index[0]
    dst = edge_index[1]
    num_graphs = 64

    agg1 = _sc_scatter_add(x, src, dst)
    h1 = _tc_layer(x, agg1, W1a, b1a, W1b, b1b, g1, be1)
    agg2 = _sc_scatter_add(h1, src, dst)
    out = _tc_final(h1, agg2, batch, W2a, b2a, W2b, b2b, g2, be2, Wl, bl,
                    num_graphs)
    return out

# --- scband reference (transcript-rebuilt; emitter-appended) ---
"""Pipeline reference for scband-gin-35613868819113 (READ-ONLY COPY).

The authoritative reference and input builder live on the scoring server;
editing this copy changes nothing except your own understanding.
"""

import jax, jax.numpy as jnp
import numpy as np

N = 10000
E = 320000
D = 128
H = 128
OUT = 128
G = 64
BN_EPS = 1e-5


def setup_inputs(seed: int = 0) -> dict:
    key = jax.random.key(seed)
    ks = jax.random.split(key, 20)
    x = jax.random.normal(ks[0], (N, D), dtype=jnp.float32)
    edge_index = jax.random.randint(ks[1], (2, E), 0, N, dtype=jnp.int32)
    batch = jnp.sort(jax.random.randint(ks[2], (N,), 0, G, dtype=jnp.int32))
    s_d = 1.0 / np.sqrt(D)
    s_h = 1.0 / np.sqrt(H)
    params = {
        'W1a': jax.random.normal(ks[3], (D, H), dtype=jnp.float32) * s_d,
        'b1a': jnp.zeros((H,), dtype=jnp.float32),
        'W1b': jax.random.normal(ks[4], (H, H), dtype=jnp.float32) * s_h,
        'b1b': jnp.zeros((H,), dtype=jnp.float32),
        'g1': jnp.ones((H,), dtype=jnp.float32),
        'be1': jnp.zeros((H,), dtype=jnp.float32),
        'W2a': jax.random.normal(ks[5], (H, H), dtype=jnp.float32) * s_h,
        'b2a': jnp.zeros((H,), dtype=jnp.float32),
        'W2b': jax.random.normal(ks[6], (H, H), dtype=jnp.float32) * s_h,
        'b2b': jnp.zeros((H,), dtype=jnp.float32),
        'g2': jnp.ones((H,), dtype=jnp.float32),
        'be2': jnp.zeros((H,), dtype=jnp.float32),
        'Wl': jax.random.normal(ks[7], (H, OUT), dtype=jnp.float32) * s_h,
        'bl': jnp.zeros((OUT,), dtype=jnp.float32),
    }
    inp = {'x': x, 'edge_index': edge_index, 'batch': batch}
    inp.update(params)
    return inp


def _gin_conv(x, src, dst, Wa, ba, Wb, bb):
    # GINConv with eps=0: nn((1+eps)*x + sum_{j in N(i)} x_j)
    agg = jnp.zeros_like(x).at[dst].add(x[src])
    h = x + agg
    h = jnp.maximum(h @ Wa + ba, 0.0)
    h = h @ Wb + bb
    return h


def _batch_norm(h, gamma, beta):
    mean = jnp.mean(h, axis=0)
    var = jnp.var(h, axis=0)
    return gamma * (h - mean) / jnp.sqrt(var + BN_EPS) + beta


def reference(x, edge_index, batch, W1a, b1a, W1b, b1b, g1, be1, W2a, b2a, W2b, b2b, g2, be2, Wl, bl):
    src = edge_index[0]
    dst = edge_index[1]
    h = _gin_conv(x, src, dst, W1a, b1a, W1b, b1b)
    h = jnp.maximum(_batch_norm(h, g1, be1), 0.0)
    h = _gin_conv(h, src, dst, W2a, b2a, W2b, b2b)
    h = jnp.maximum(_batch_norm(h, g2, be2), 0.0)
    pooled = jax.ops.segment_sum(h, batch, num_segments=G)
    # dropout p=0.0 -> identity
    out = pooled @ Wl + bl
    return out

if __name__ == "__main__":
    import jax
    _d = setup_inputs()
    print(jax.jit(kernel)(*tuple(_d.values())))

</pallas_src>

<mosaic_0001>
#map = affine_map<(d0, d1) -> (0, 0)>
#map1 = affine_map<(d0, d1) -> (0)>
#map2 = affine_map<(d0, d1) -> (0, 0, 0)>
module attributes {stable_mosaic.version = 14 : i64} {
  func.func @sc_body(%arg0: i32, %arg1: i32, %arg2: memref<10000x128xf32, #tpu.memory_space<hbm>>, %arg3: memref<320000xi32, #tpu.memory_space<hbm>>, %arg4: memref<320000xi32, #tpu.memory_space<hbm>>, %arg5: memref<2x10000x128xf32, #tpu.memory_space<hbm>>, %arg6: memref<128xi32, #tpu.memory_space<vmem>>, %arg7: memref<128xi32, #tpu.memory_space<vmem>>, %arg8: memref<128x128xf32, #tpu.memory_space<vmem>>, %arg9: memref<10000x128xf32, #tpu.memory_space<vmem_shared>>, %arg10: memref<!tpu.dma_semaphore, #tpu.memory_space<semaphore_mem>>, %arg11: memref<16xi32, #tpu.memory_space<vmem>>, %arg12: memref<16xi32, #tpu.memory_space<vmem>>, %arg13: memref<16x128xf32, #tpu.memory_space<vmem>>) attributes {dimension_semantics = [#tpu.dimension_semantics<core_parallel>, #tpu.dimension_semantics<subcore_parallel>], iteration_bounds = array<i64: 2, 16>, scalar_prefetch = 0 : i64, scratch_operands = 8 : i64, tpu.core_type = #tpu.core_type<sc_vector_subcore>, window_params = [{transform_indices = #map}, {transform_indices = #map1}, {transform_indices = #map1}, {transform_indices = #map2}]} {
    %mul3A = arith.constant 2 : i32
    %mul3A_0 = arith.muli %arg1, %mul3A : i32
    %add3A = arith.addi %mul3A_0, %arg0 : i32
    %lt3A = arith.constant 15 : i32
    %lt3A_1 = arith.cmpi slt, %arg1, %lt3A : i32
    %convert_element_type3A = arith.extui %lt3A_1 : i1 to i32
    %cond3A = arith.constant 0 : i32
    %cond3A_2 = arith.cmpi ne, %convert_element_type3A, %cond3A : i32
    scf.if %cond3A_2 {
      %mul3A_31 = arith.constant 624 : i32
      %mul3A_32 = arith.muli %arg1, %mul3A_31 : i32
      "tpu.region"() ({
        %run_scoped3A = tpu.sem_alloc : memref<!tpu.dma_semaphore, #tpu.memory_space<semaphore_mem>>
        %dma_start3A_33 = arith.constant 0 : i32
        %dma_start3A_34 = tpu.memref_slice %arg9[%mul3A_32, %dma_start3A_33] : memref<10000x128xf32, #tpu.memory_space<vmem_shared>> -> memref<624x128xf32, #tpu.memory_space<vmem_shared>>
        %dma_start3A_35 = arith.constant 0 : i32
        %dma_start3A_36 = tpu.memref_slice %arg2[%mul3A_32, %dma_start3A_35] : memref<10000x128xf32, #tpu.memory_space<hbm>> -> memref<624x128xf32, #tpu.memory_space<hbm>>
        tpu.enqueue_dma source(%dma_start3A_36 : memref<624x128xf32, #tpu.memory_space<hbm>>) target(%dma_start3A_34 : memref<624x128xf32, #tpu.memory_space<vmem_shared>>) target_semaphore(%run_scoped3A : memref<!tpu.dma_semaphore, #tpu.memory_space<semaphore_mem>>)
        %dma_wait3A_37 = arith.constant 0 : i32
        %dma_wait3A_38 = tpu.memref_slice %arg9[%mul3A_32, %dma_wait3A_37] : memref<10000x128xf32, #tpu.memory_space<vmem_shared>> -> memref<624x128xf32, #tpu.memory_space<vmem_shared>>
        %dma_wait3A_39 = arith.constant 0 : i32
        %dma_wait3A_40 = tpu.memref_slice %arg2[%mul3A_32, %dma_wait3A_39] : memref<10000x128xf32, #tpu.memory_space<hbm>> -> memref<624x128xf32, #tpu.memory_space<hbm>>
        tpu.wait_dma2 semaphore(%run_scoped3A : memref<!tpu.dma_semaphore, #tpu.memory_space<semaphore_mem>>) src(%dma_wait3A_40 : memref<624x128xf32, #tpu.memory_space<hbm>>) dst(%dma_wait3A_38 : memref<624x128xf32, #tpu.memory_space<vmem_shared>>)
        tpu.yield
      }) : () -> ()
    } else {
    }
    %eq3A = arith.constant 15 : i32
    %eq3A_3 = arith.cmpi eq, %arg1, %eq3A : i32
    %convert_element_type3A_4 = arith.extui %eq3A_3 : i1 to i32
    %cond3A_5 = arith.constant 0 : i32
    %cond3A_6 = arith.cmpi ne, %convert_element_type3A_4, %cond3A_5 : i32
    scf.if %cond3A_6 {
      "tpu.region"() ({
        %run_scoped3A = tpu.sem_alloc : memref<!tpu.dma_semaphore, #tpu.memory_space<semaphore_mem>>
        %dma_start3A_31 = arith.constant 9360 : i32
        %dma_start3A_32 = arith.constant 0 : i32
        %dma_start3A_33 = tpu.memref_slice %arg9[%dma_start3A_31, %dma_start3A_32] : memref<10000x128xf32, #tpu.memory_space<vmem_shared>> -> memref<640x128xf32, #tpu.memory_space<vmem_shared>>
        %dma_start3A_34 = arith.constant 9360 : i32
        %dma_start3A_35 = arith.constant 0 : i32
        %dma_start3A_36 = tpu.memref_slice %arg2[%dma_start3A_34, %dma_start3A_35] : memref<10000x128xf32, #tpu.memory_space<hbm>> -> memref<640x128xf32, #tpu.memory_space<hbm>>
        tpu.enqueue_dma source(%dma_start3A_36 : memref<640x128xf32, #tpu.memory_space<hbm>>) target(%dma_start3A_33 : memref<640x128xf32, #tpu.memory_space<vmem_shared>>) target_semaphore(%run_scoped3A : memref<!tpu.dma_semaphore, #tpu.memory_space<semaphore_mem>>)
        %dma_wait3A_37 = arith.constant 9360 : i32
        %dma_wait3A_38 = arith.constant 0 : i32
        %dma_wait3A_39 = tpu.memref_slice %arg9[%dma_wait3A_37, %dma_wait3A_38] : memref<10000x128xf32, #tpu.memory_space<vmem_shared>> -> memref<640x128xf32, #tpu.memory_space<vmem_shared>>
        %dma_wait3A_40 = arith.constant 9360 : i32
        %dma_wait3A_41 = arith.constant 0 : i32
        %dma_wait3A_42 = tpu.memref_slice %arg2[%dma_wait3A_40, %dma_wait3A_41] : memref<10000x128xf32, #tpu.memory_space<hbm>> -> memref<640x128xf32, #tpu.memory_space<hbm>>
        tpu.wait_dma2 semaphore(%run_scoped3A : memref<!tpu.dma_semaphore, #tpu.memory_space<semaphore_mem>>) src(%dma_wait3A_42 : memref<640x128xf32, #tpu.memory_space<hbm>>) dst(%dma_wait3A_39 : memref<640x128xf32, #tpu.memory_space<vmem_shared>>)
        tpu.yield
      }) : () -> ()
    } else {
    }
    %barrier3A = arith.constant 0 : index
    tpu.barrier barrier_id(%barrier3A)
    %mul3A_7 = arith.constant 10000 : i32
    %mul3A_8 = arith.muli %add3A, %mul3A_7 : i32
    %scan3A = arith.constant 0 : i32
    %scan3A_9 = arith.constant 0 : i32
    %scan3A_10 = arith.constant 78 : i32
    %scan3A_11 = arith.addi %scan3A_9, %scan3A_10 : i32
    %scan3A_12 = arith.constant 1 : i32
    scf.for %scan3A_31 = %scan3A_9 to %scan3A_11 step %scan3A_12  : i32 {
      %mul3A_32 = arith.constant 128 : i32
      %mul3A_33 = arith.muli %scan3A_31, %mul3A_32 : i32
      %add3A_34 = arith.addi %mul3A_8, %mul3A_33 : i32
      "tpu.region"() ({
        %run_scoped3A = tpu.sem_alloc : memref<!tpu.dma_semaphore, #tpu.memory_space<semaphore_mem>>
        %dma_start3A_41 = tpu.memref_slice %arg3[%add3A_34] : memref<320000xi32, #tpu.memory_space<hbm>> -> memref<128xi32, #tpu.memory_space<hbm>>
        %dma_start3A_42 = tpu.memref_slice %arg3[%add3A_34] : memref<320000xi32, #tpu.memory_space<hbm>> -> memref<128xi32, #tpu.memory_space<hbm>>
        tpu.enqueue_dma source(%dma_start3A_42 : memref<128xi32, #tpu.memory_space<hbm>>) target(%arg6 : memref<128xi32, #tpu.memory_space<vmem>>) target_semaphore(%run_scoped3A : memref<!tpu.dma_semaphore, #tpu.memory_space<semaphore_mem>>)
        %dma_wait3A_43 = tpu.memref_slice %arg3[%add3A_34] : memref<320000xi32, #tpu.memory_space<hbm>> -> memref<128xi32, #tpu.memory_space<hbm>>
        %dma_wait3A_44 = tpu.memref_slice %arg3[%add3A_34] : memref<320000xi32, #tpu.memory_space<hbm>> -> memref<128xi32, #tpu.memory_space<hbm>>
        tpu.wait_dma2 semaphore(%run_scoped3A : memref<!tpu.dma_semaphore, #tpu.memory_space<semaphore_mem>>) src(%dma_wait3A_44 : memref<128xi32, #tpu.memory_space<hbm>>) dst(%arg6 : memref<128xi32, #tpu.memory_space<vmem>>)
        tpu.yield
      }) : () -> ()
      %dma_start3A_35 = arith.constant 0 : i32
      %dma_start3A_36 = arith.constant 0 : i32
      %dma_start3A_37 = tpu.memref_slice %arg2[%dma_start3A_35, %dma_start3A_36] : memref<10000x128xf32, #tpu.memory_space<hbm>> -> memref<10000x128xf32, #tpu.memory_space<hbm>>
      tpu.enqueue_indirect_dma source(%dma_start3A_37 : memref<10000x128xf32, #tpu.memory_space<hbm>>) target(%arg8 : memref<128x128xf32, #tpu.memory_space<vmem>>) offsets(%arg6 : memref<128xi32, #tpu.memory_space<vmem>>) semaphore(%arg10 : memref<!tpu.dma_semaphore, #tpu.memory_space<semaphore_mem>>)
      "tpu.region"() ({
        %run_scoped3A = tpu.sem_alloc : memref<!tpu.dma_semaphore, #tpu.memory_space<semaphore_mem>>
        %dma_start3A_41 = tpu.memref_slice %arg4[%add3A_34] : memref<320000xi32, #tpu.memory_space<hbm>> -> memref<128xi32, #tpu.memory_space<hbm>>
        %dma_start3A_42 = tpu.memref_slice %arg4[%add3A_34] : memref<320000xi32, #tpu.memory_space<hbm>> -> memref<128xi32, #tpu.memory_space<hbm>>
        tpu.enqueue_dma source(%dma_start3A_42 : memref<128xi32, #tpu.memory_space<hbm>>) target(%arg7 : memref<128xi32, #tpu.memory_space<vmem>>) target_semaphore(%run_scoped3A : memref<!tpu.dma_semaphore, #tpu.memory_space<semaphore_mem>>)
        %dma_wait3A_43 = tpu.memref_slice %arg4[%add3A_34] : memref<320000xi32, #tpu.memory_space<hbm>> -> memref<128xi32, #tpu.memory_space<hbm>>
        %dma_wait3A_44 = tpu.memref_slice %arg4[%add3A_34] : memref<320000xi32, #tpu.memory_space<hbm>> -> memref<128xi32, #tpu.memory_space<hbm>>
        tpu.wait_dma2 semaphore(%run_scoped3A : memref<!tpu.dma_semaphore, #tpu.memory_space<semaphore_mem>>) src(%dma_wait3A_44 : memref<128xi32, #tpu.memory_space<hbm>>) dst(%arg7 : memref<128xi32, #tpu.memory_space<vmem>>)
        tpu.yield
      }) : () -> ()
      %dma_wait3A_38 = arith.constant 0 : i32
      %dma_wait3A_39 = arith.constant 0 : i32
      %dma_wait3A_40 = tpu.memref_slice %arg2[%dma_wait3A_38, %dma_wait3A_39] : memref<10000x128xf32, #tpu.memory_space<hbm>> -> memref<10000x128xf32, #tpu.memory_space<hbm>>
      tpu.wait_indirect_dma semaphore(%arg10 : memref<!tpu.dma_semaphore, #tpu.memory_space<semaphore_mem>>) src(%dma_wait3A_40 : memref<10000x128xf32, #tpu.memory_space<hbm>>) dst(%arg8 : memref<128x128xf32, #tpu.memory_space<vmem>>)
      "tpu.region"() ({
        %run_scoped3A = tpu.sem_alloc : memref<!tpu.dma_semaphore, #tpu.memory_space<semaphore_mem>>
        %dma_start3A_41 = arith.constant 0 : i32
        %dma_start3A_42 = arith.constant 0 : i32
        %dma_start3A_43 = tpu.memref_slice %arg9[%dma_start3A_41, %dma_start3A_42] : memref<10000x128xf32, #tpu.memory_space<vmem_shared>> -> memref<10000x128xf32, #tpu.memory_space<vmem_shared>>
        tpu.enqueue_indirect_dma source(%arg8 : memref<128x128xf32, #tpu.memory_space<vmem>>) target(%dma_start3A_43 : memref<10000x128xf32, #tpu.memory_space<vmem_shared>>) offsets(%arg7 : memref<128xi32, #tpu.memory_space<vmem>>) semaphore(%run_scoped3A : memref<!tpu.dma_semaphore, #tpu.memory_space<semaphore_mem>>) {add = true}
        %dma_wait3A_44 = arith.constant 0 : i32
        %dma_wait3A_45 = arith.constant 0 : i32
        %dma_wait3A_46 = tpu.memref_slice %arg9[%dma_wait3A_44, %dma_wait3A_45] : memref<10000x128xf32, #tpu.memory_space<vmem_shared>> -> memref<10000x128xf32, #tpu.memory_space<vmem_shared>>
        tpu.wait_indirect_dma semaphore(%run_scoped3A : memref<!tpu.dma_semaphore, #tpu.memory_space<semaphore_mem>>) src(%arg8 : memref<128x128xf32, #tpu.memory_space<vmem>>) dst(%dma_wait3A_46 : memref<10000x128xf32, #tpu.memory_space<vmem_shared>>)
        tpu.yield
      }) : () -> ()
    }
    %scan3A_13 = arith.constant 78 : i32
    %add3A_14 = arith.constant 9984 : i32
    %add3A_15 = arith.addi %mul3A_8, %add3A_14 : i32
    "tpu.region"() ({
      %run_scoped3A = tpu.sem_alloc : memref<!tpu.dma_semaphore, #tpu.memory_space<semaphore_mem>>
      %dma_start3A_31 = tpu.memref_slice %arg3[%add3A_15] : memref<320000xi32, #tpu.memory_space<hbm>> -> memref<16xi32, #tpu.memory_space<hbm>>
      %dma_start3A_32 = tpu.memref_slice %arg3[%add3A_15] : memref<320000xi32, #tpu.memory_space<hbm>> -> memref<16xi32, #tpu.memory_space<hbm>>
      tpu.enqueue_dma source(%dma_start3A_32 : memref<16xi32, #tpu.memory_space<hbm>>) target(%arg11 : memref<16xi32, #tpu.memory_space<vmem>>) target_semaphore(%run_scoped3A : memref<!tpu.dma_semaphore, #tpu.memory_space<semaphore_mem>>)
      %dma_wait3A_33 = tpu.memref_slice %arg3[%add3A_15] : memref<320000xi32, #tpu.memory_space<hbm>> -> memref<16xi32, #tpu.memory_space<hbm>>
      %dma_wait3A_34 = tpu.memref_slice %arg3[%add3A_15] : memref<320000xi32, #tpu.memory_space<hbm>> -> memref<16xi32, #tpu.memory_space<hbm>>
      tpu.wait_dma2 semaphore(%run_scoped3A : memref<!tpu.dma_semaphore, #tpu.memory_space<semaphore_mem>>) src(%dma_wait3A_34 : memref<16xi32, #tpu.memory_space<hbm>>) dst(%arg11 : memref<16xi32, #tpu.memory_space<vmem>>)
      tpu.yield
    }) : () -> ()
    %dma_start3A = arith.constant 0 : i32
    %dma_start3A_16 = arith.constant 0 : i32
    %dma_start3A_17 = tpu.memref_slice %arg2[%dma_start3A, %dma_start3A_16] : memref<10000x128xf32, #tpu.memory_space<hbm>> -> memref<10000x128xf32, #tpu.memory_space<hbm>>
    tpu.enqueue_indirect_dma source(%dma_start3A_17 : memref<10000x128xf32, #tpu.memory_space<hbm>>) target(%arg13 : memref<16x128xf32, #tpu.memory_space<vmem>>) offsets(%arg11 : memref<16xi32, #tpu.memory_space<vmem>>) semaphore(%arg10 : memref<!tpu.dma_semaphore, #tpu.memory_space<semaphore_mem>>)
    "tpu.region"() ({
      %run_scoped3A = tpu.sem_alloc : memref<!tpu.dma_semaphore, #tpu.memory_space<semaphore_mem>>
      %dma_start3A_31 = tpu.memref_slice %arg4[%add3A_15] : memref<320000xi32, #tpu.memory_space<hbm>> -> memref<16xi32, #tpu.memory_space<hbm>>
      %dma_start3A_32 = tpu.memref_slice %arg4[%add3A_15] : memref<320000xi32, #tpu.memory_space<hbm>> -> memref<16xi32, #tpu.memory_space<hbm>>
      tpu.enqueue_dma source(%dma_start3A_32 : memref<16xi32, #tpu.memory_space<hbm>>) target(%arg12 : memref<16xi32, #tpu.memory_space<vmem>>) target_semaphore(%run_scoped3A : memref<!tpu.dma_semaphore, #tpu.memory_space<semaphore_mem>>)
      %dma_wait3A_33 = tpu.memref_slice %arg4[%add3A_15] : memref<320000xi32, #tpu.memory_space<hbm>> -> memref<16xi32, #tpu.memory_space<hbm>>
      %dma_wait3A_34 = tpu.memref_slice %arg4[%add3A_15] : memref<320000xi32, #tpu.memory_space<hbm>> -> memref<16xi32, #tpu.memory_space<hbm>>
      tpu.wait_dma2 semaphore(%run_scoped3A : memref<!tpu.dma_semaphore, #tpu.memory_space<semaphore_mem>>) src(%dma_wait3A_34 : memref<16xi32, #tpu.memory_space<hbm>>) dst(%arg12 : memref<16xi32, #tpu.memory_space<vmem>>)
      tpu.yield
    }) : () -> ()
    %dma_wait3A = arith.constant 0 : i32
    %dma_wait3A_18 = arith.constant 0 : i32
    %dma_wait3A_19 = tpu.memref_slice %arg2[%dma_wait3A, %dma_wait3A_18] : memref<10000x128xf32, #tpu.memory_space<hbm>> -> memref<10000x128xf32, #tpu.memory_space<hbm>>
    tpu.wait_indirect_dma semaphore(%arg10 : memref<!tpu.dma_semaphore, #tpu.memory_space<semaphore_mem>>) src(%dma_wait3A_19 : memref<10000x128xf32, #tpu.memory_space<hbm>>) dst(%arg13 : memref<16x128xf32, #tpu.memory_space<vmem>>)
    "tpu.region"() ({
      %run_scoped3A = tpu.sem_alloc : memref<!tpu.dma_semaphore, #tpu.memory_space<semaphore_mem>>
      %dma_start3A_31 = arith.constant 0 : i32
      %dma_start3A_32 = arith.constant 0 : i32
      %dma_start3A_33 = tpu.memref_slice %arg9[%dma_start3A_31, %dma_start3A_32] : memref<10000x128xf32, #tpu.memory_space<vmem_shared>> -> memref<10000x128xf32, #tpu.memory_space<vmem_shared>>
      tpu.enqueue_indirect_dma source(%arg13 : memref<16x128xf32, #tpu.memory_space<vmem>>) target(%dma_start3A_33 : memref<10000x128xf32, #tpu.memory_space<vmem_shared>>) offsets(%arg12 : memref<16xi32, #tpu.memory_space<vmem>>) semaphore(%run_scoped3A : memref<!tpu.dma_semaphore, #tpu.memory_space<semaphore_mem>>) {add = true}
      %dma_wait3A_34 = arith.constant 0 : i32
      %dma_wait3A_35 = arith.constant 0 : i32
      %dma_wait3A_36 = tpu.memref_slice %arg9[%dma_wait3A_34, %dma_wait3A_35] : memref<10000x128xf32, #tpu.memory_space<vmem_shared>> -> memref<10000x128xf32, #tpu.memory_space<vmem_shared>>
      tpu.wait_indirect_dma semaphore(%run_scoped3A : memref<!tpu.dma_semaphore, #tpu.memory_space<semaphore_mem>>) src(%arg13 : memref<16x128xf32, #tpu.memory_space<vmem>>) dst(%dma_wait3A_36 : memref<10000x128xf32, #tpu.memory_space<vmem_shared>>)
      tpu.yield
    }) : () -> ()
    %barrier3A_20 = arith.constant 0 : index
    tpu.barrier barrier_id(%barrier3A_20)
    %lt3A_21 = arith.constant 15 : i32
    %lt3A_22 = arith.cmpi slt, %arg1, %lt3A_21 : i32
    %convert_element_type3A_23 = arith.extui %lt3A_22 : i1 to i32
    %cond3A_24 = arith.constant 0 : i32
    %cond3A_25 = arith.cmpi ne, %convert_element_type3A_23, %cond3A_24 : i32
    scf.if %cond3A_25 {
      %mul3A_31 = arith.constant 624 : i32
      %mul3A_32 = arith.muli %arg1, %mul3A_31 : i32
      "tpu.region"() ({
        %run_scoped3A = tpu.sem_alloc : memref<!tpu.dma_semaphore, #tpu.memory_space<semaphore_mem>>
        %dma_start3A_33 = arith.constant 0 : i32
        %dma_start3A_34 = tpu.memref_slice %arg5[%arg0, %mul3A_32, %dma_start3A_33] : memref<2x10000x128xf32, #tpu.memory_space<hbm>> -> memref<1x624x128xf32, #tpu.memory_space<hbm>>
        %dma_start3A_35 = tpu.memref_squeeze %dma_start3A_34 : memref<1x624x128xf32, #tpu.memory_space<hbm>> -> memref<624x128xf32, #tpu.memory_space<hbm>>
        %dma_start3A_36 = arith.constant 0 : i32
        %dma_start3A_37 = tpu.memref_slice %arg9[%mul3A_32, %dma_start3A_36] : memref<10000x128xf32, #tpu.memory_space<vmem_shared>> -> memref<624x128xf32, #tpu.memory_space<vmem_shared>>
        tpu.enqueue_dma source(%dma_start3A_37 : memref<624x128xf32, #tpu.memory_space<vmem_shared>>) target(%dma_start3A_35 : memref<624x128xf32, #tpu.memory_space<hbm>>) target_semaphore(%run_scoped3A : memref<!tpu.dma_semaphore, #tpu.memory_space<semaphore_mem>>)
        %dma_wait3A_38 = arith.constant 0 : i32
        %dma_wait3A_39 = tpu.memref_slice %arg5[%arg0, %mul3A_32, %dma_wait3A_38] : memref<2x10000x128xf32, #tpu.memory_space<hbm>> -> memref<1x624x128xf32, #tpu.memory_space<hbm>>
        %dma_wait3A_40 = tpu.memref_squeeze %dma_wait3A_39 : memref<1x624x128xf32, #tpu.memory_space<hbm>> -> memref<624x128xf32, #tpu.memory_space<hbm>>
        %dma_wait3A_41 = arith.constant 0 : i32
        %dma_wait3A_42 = tpu.memref_slice %arg9[%mul3A_32, %dma_wait3A_41] : memref<10000x128xf32, #tpu.memory_space<vmem_shared>> -> memref<624x128xf32, #tpu.memory_space<vmem_shared>>
        tpu.wait_dma2 semaphore(%run_scoped3A : memref<!tpu.dma_semaphore, #tpu.memory_space<semaphore_mem>>) src(%dma_wait3A_42 : memref<624x128xf32, #tpu.memory_space<vmem_shared>>) dst(%dma_wait3A_40 : memref<624x128xf32, #tpu.memory_space<hbm>>)
        tpu.yield
      }) : () -> ()
    } else {
    }
    %eq3A_26 = arith.constant 15 : i32
    %eq3A_27 = arith.cmpi eq, %arg1, %eq3A_26 : i32
    %convert_element_type3A_28 = arith.extui %eq3A_27 : i1 to i32
    %cond3A_29 = arith.constant 0 : i32
    %cond3A_30 = arith.cmpi ne, %convert_element_type3A_28, %cond3A_29 : i32
    scf.if %cond3A_30 {
      "tpu.region"() ({
        %run_scoped3A = tpu.sem_alloc : memref<!tpu.dma_semaphore, #tpu.memory_space<semaphore_mem>>
        %dma_start3A_31 = arith.constant 9360 : i32
        %dma_start3A_32 = arith.constant 0 : i32
        %dma_start3A_33 = tpu.memref_slice %arg5[%arg0, %dma_start3A_31, %dma_start3A_32] : memref<2x10000x128xf32, #tpu.memory_space<hbm>> -> memref<1x640x128xf32, #tpu.memory_space<hbm>>
        %dma_start3A_34 = tpu.memref_squeeze %dma_start3A_33 : memref<1x640x128xf32, #tpu.memory_space<hbm>> -> memref<640x128xf32, #tpu.memory_space<hbm>>
        %dma_start3A_35 = arith.constant 9360 : i32
        %dma_start3A_36 = arith.constant 0 : i32
        %dma_start3A_37 = tpu.memref_slice %arg9[%dma_start3A_35, %dma_start3A_36] : memref<10000x128xf32, #tpu.memory_space<vmem_shared>> -> memref<640x128xf32, #tpu.memory_space<vmem_shared>>
        tpu.enqueue_dma source(%dma_start3A_37 : memref<640x128xf32, #tpu.memory_space<vmem_shared>>) target(%dma_start3A_34 : memref<640x128xf32, #tpu.memory_space<hbm>>) target_semaphore(%run_scoped3A : memref<!tpu.dma_semaphore, #tpu.memory_space<semaphore_mem>>)
        %dma_wait3A_38 = arith.constant 9360 : i32
        %dma_wait3A_39 = arith.constant 0 : i32
        %dma_wait3A_40 = tpu.memref_slice %arg5[%arg0, %dma_wait3A_38, %dma_wait3A_39] : memref<2x10000x128xf32, #tpu.memory_space<hbm>> -> memref<1x640x128xf32, #tpu.memory_space<hbm>>
        %dma_wait3A_41 = tpu.memref_squeeze %dma_wait3A_40 : memref<1x640x128xf32, #tpu.memory_space<hbm>> -> memref<640x128xf32, #tpu.memory_space<hbm>>
        %dma_wait3A_42 = arith.constant 9360 : i32
        %dma_wait3A_43 = arith.constant 0 : i32
        %dma_wait3A_44 = tpu.memref_slice %arg9[%dma_wait3A_42, %dma_wait3A_43] : memref<10000x128xf32, #tpu.memory_space<vmem_shared>> -> memref<640x128xf32, #tpu.memory_space<vmem_shared>>
        tpu.wait_dma2 semaphore(%run_scoped3A : memref<!tpu.dma_semaphore, #tpu.memory_space<semaphore_mem>>) src(%dma_wait3A_44 : memref<640x128xf32, #tpu.memory_space<vmem_shared>>) dst(%dma_wait3A_41 : memref<640x128xf32, #tpu.memory_space<hbm>>)
        tpu.yield
      }) : () -> ()
    } else {
    }
    return
  }
}

#map = affine_map<(d0, d1) -> (0, 0)>
#map1 = affine_map<(d0, d1) -> (0)>
#map2 = affine_map<(d0, d1) -> (0, 0, 0)>
module attributes {stable_mosaic.version = 14 : i64} {
  func.func @sc_body(%arg0: i32, %arg1: i32, %arg2: memref<10000x128xf32, #tpu.memory_space<hbm>>, %arg3: memref<320000xi32, #tpu.memory_space<hbm>>, %arg4: memref<320000xi32, #tpu.memory_space<hbm>>, %arg5: memref<2x10000x128xf32, #tpu.memory_space<hbm>>, %arg6: memref<128xi32, #tpu.memory_space<vmem>>, %arg7: memref<128xi32, #tpu.memory_space<vmem>>, %arg8: memref<128x128xf32, #tpu.memory_space<vmem>>, %arg9: memref<10000x128xf32, #tpu.memory_space<vmem_shared>>, %arg10: memref<!tpu.dma_semaphore, #tpu.memory_space<semaphore_mem>>, %arg11: memref<16xi32, #tpu.memory_space<vmem>>, %arg12: memref<16xi32, #tpu.memory_space<vmem>>, %arg13: memref<16x128xf32, #tpu.memory_space<vmem>>) attributes {dimension_semantics = [#tpu.dimension_semantics<core_parallel>, #tpu.dimension_semantics<subcore_parallel>], iteration_bounds = array<i64: 2, 16>, scalar_prefetch = 0 : i64, scratch_operands = 8 : i64, tpu.core_type = #tpu.core_type<sc_vector_subcore>, window_params = [{transform_indices = #map}, {transform_indices = #map1}, {transform_indices = #map1}, {transform_indices = #map2}]} {
    %mul3A = arith.constant 2 : i32
    %mul3A_0 = arith.muli %arg1, %mul3A : i32
    %add3A = arith.addi %mul3A_0, %arg0 : i32
    %lt3A = arith.constant 15 : i32
    %lt3A_1 = arith.cmpi slt, %arg1, %lt3A : i32
    %convert_element_type3A = arith.extui %lt3A_1 : i1 to i32
    %cond3A = arith.constant 0 : i32
    %cond3A_2 = arith.cmpi ne, %convert_element_type3A, %cond3A : i32
    scf.if %cond3A_2 {
      %mul3A_31 = arith.constant 624 : i32
      %mul3A_32 = arith.muli %arg1, %mul3A_31 : i32
      "tpu.region"() ({
        %run_scoped3A = tpu.sem_alloc : memref<!tpu.dma_semaphore, #tpu.memory_space<semaphore_mem>>
        %dma_start3A_33 = arith.constant 0 : i32
        %dma_start3A_34 = tpu.memref_slice %arg9[%mul3A_32, %dma_start3A_33] : memref<10000x128xf32, #tpu.memory_space<vmem_shared>> -> memref<624x128xf32, #tpu.memory_space<vmem_shared>>
        %dma_start3A_35 = arith.constant 0 : i32
        %dma_start3A_36 = tpu.memref_slice %arg2[%mul3A_32, %dma_start3A_35] : memref<10000x128xf32, #tpu.memory_space<hbm>> -> memref<624x128xf32, #tpu.memory_space<hbm>>
        tpu.enqueue_dma source(%dma_start3A_36 : memref<624x128xf32, #tpu.memory_space<hbm>>) target(%dma_start3A_34 : memref<624x128xf32, #tpu.memory_space<vmem_shared>>) target_semaphore(%run_scoped3A : memref<!tpu.dma_semaphore, #tpu.memory_space<semaphore_mem>>)
        %dma_wait3A_37 = arith.constant 0 : i32
        %dma_wait3A_38 = tpu.memref_slice %arg9[%mul3A_32, %dma_wait3A_37] : memref<10000x128xf32, #tpu.memory_space<vmem_shared>> -> memref<624x128xf32, #tpu.memory_space<vmem_shared>>
        %dma_wait3A_39 = arith.constant 0 : i32
        %dma_wait3A_40 = tpu.memref_slice %arg2[%mul3A_32, %dma_wait3A_39] : memref<10000x128xf32, #tpu.memory_space<hbm>> -> memref<624x128xf32, #tpu.memory_space<hbm>>
        tpu.wait_dma2 semaphore(%run_scoped3A : memref<!tpu.dma_semaphore, #tpu.memory_space<semaphore_mem>>) src(%dma_wait3A_40 : memref<624x128xf32, #tpu.memory_space<hbm>>) dst(%dma_wait3A_38 : memref<624x128xf32, #tpu.memory_space<vmem_shared>>)
        tpu.yield
      }) : () -> ()
    } else {
    }
    %eq3A = arith.constant 15 : i32
    %eq3A_3 = arith.cmpi eq, %arg1, %eq3A : i32
    %convert_element_type3A_4 = arith.extui %eq3A_3 : i1 to i32
    %cond3A_5 = arith.constant 0 : i32
    %cond3A_6 = arith.cmpi ne, %convert_element_type3A_4, %cond3A_5 : i32
    scf.if %cond3A_6 {
      "tpu.region"() ({
        %run_scoped3A = tpu.sem_alloc : memref<!tpu.dma_semaphore, #tpu.memory_space<semaphore_mem>>
        %dma_start3A_31 = arith.constant 9360 : i32
        %dma_start3A_32 = arith.constant 0 : i32
        %dma_start3A_33 = tpu.memref_slice %arg9[%dma_start3A_31, %dma_start3A_32] : memref<10000x128xf32, #tpu.memory_space<vmem_shared>> -> memref<640x128xf32, #tpu.memory_space<vmem_shared>>
        %dma_start3A_34 = arith.constant 9360 : i32
        %dma_start3A_35 = arith.constant 0 : i32
        %dma_start3A_36 = tpu.memref_slice %arg2[%dma_start3A_34, %dma_start3A_35] : memref<10000x128xf32, #tpu.memory_space<hbm>> -> memref<640x128xf32, #tpu.memory_space<hbm>>
        tpu.enqueue_dma source(%dma_start3A_36 : memref<640x128xf32, #tpu.memory_space<hbm>>) target(%dma_start3A_33 : memref<640x128xf32, #tpu.memory_space<vmem_shared>>) target_semaphore(%run_scoped3A : memref<!tpu.dma_semaphore, #tpu.memory_space<semaphore_mem>>)
        %dma_wait3A_37 = arith.constant 9360 : i32
        %dma_wait3A_38 = arith.constant 0 : i32
        %dma_wait3A_39 = tpu.memref_slice %arg9[%dma_wait3A_37, %dma_wait3A_38] : memref<10000x128xf32, #tpu.memory_space<vmem_shared>> -> memref<640x128xf32, #tpu.memory_space<vmem_shared>>
        %dma_wait3A_40 = arith.constant 9360 : i32
        %dma_wait3A_41 = arith.constant 0 : i32
        %dma_wait3A_42 = tpu.memref_slice %arg2[%dma_wait3A_40, %dma_wait3A_41] : memref<10000x128xf32, #tpu.memory_space<hbm>> -> memref<640x128xf32, #tpu.memory_space<hbm>>
        tpu.wait_dma2 semaphore(%run_scoped3A : memref<!tpu.dma_semaphore, #tpu.memory_space<semaphore_mem>>) src(%dma_wait3A_42 : memref<640x128xf32, #tpu.memory_space<hbm>>) dst(%dma_wait3A_39 : memref<640x128xf32, #tpu.memory_space<vmem_shared>>)
        tpu.yield
      }) : () -> ()
    } else {
    }
    %barrier3A = arith.constant 0 : index
    tpu.barrier barrier_id(%barrier3A)
    %mul3A_7 = arith.constant 10000 : i32
    %mul3A_8 = arith.muli %add3A, %mul3A_7 : i32
    %scan3A = arith.constant 0 : i32
    %scan3A_9 = arith.constant 0 : i32
    %scan3A_10 = arith.constant 78 : i32
    %scan3A_11 = arith.addi %scan3A_9, %scan3A_10 : i32
    %scan3A_12 = arith.constant 1 : i32
    scf.for %scan3A_31 = %scan3A_9 to %scan3A_11 step %scan3A_12  : i32 {
      %mul3A_32 = arith.constant 128 : i32
      %mul3A_33 = arith.muli %scan3A_31, %mul3A_32 : i32
      %add3A_34 = arith.addi %mul3A_8, %mul3A_33 : i32
      "tpu.region"() ({
        %run_scoped3A = tpu.sem_alloc : memref<!tpu.dma_semaphore, #tpu.memory_space<semaphore_mem>>
        %dma_start3A_41 = tpu.memref_slice %arg3[%add3A_34] : memref<320000xi32, #tpu.memory_space<hbm>> -> memref<128xi32, #tpu.memory_space<hbm>>
        %dma_start3A_42 = tpu.memref_slice %arg3[%add3A_34] : memref<320000xi32, #tpu.memory_space<hbm>> -> memref<128xi32, #tpu.memory_space<hbm>>
        tpu.enqueue_dma source(%dma_start3A_42 : memref<128xi32, #tpu.memory_space<hbm>>) target(%arg6 : memref<128xi32, #tpu.memory_space<vmem>>) target_semaphore(%run_scoped3A : memref<!tpu.dma_semaphore, #tpu.memory_space<semaphore_mem>>)
        %dma_wait3A_43 = tpu.memref_slice %arg3[%add3A_34] : memref<320000xi32, #tpu.memory_space<hbm>> -> memref<128xi32, #tpu.memory_space<hbm>>
        %dma_wait3A_44 = tpu.memref_slice %arg3[%add3A_34] : memref<320000xi32, #tpu.memory_space<hbm>> -> memref<128xi32, #tpu.memory_space<hbm>>
        tpu.wait_dma2 semaphore(%run_scoped3A : memref<!tpu.dma_semaphore, #tpu.memory_space<semaphore_mem>>) src(%dma_wait3A_44 : memref<128xi32, #tpu.memory_space<hbm>>) dst(%arg6 : memref<128xi32, #tpu.memory_space<vmem>>)
        tpu.yield
      }) : () -> ()
      %dma_start3A_35 = arith.constant 0 : i32
      %dma_start3A_36 = arith.constant 0 : i32
      %dma_start3A_37 = tpu.memref_slice %arg2[%dma_start3A_35, %dma_start3A_36] : memref<10000x128xf32, #tpu.memory_space<hbm>> -> memref<10000x128xf32, #tpu.memory_space<hbm>>
      tpu.enqueue_indirect_dma source(%dma_start3A_37 : memref<10000x128xf32, #tpu.memory_space<hbm>>) target(%arg8 : memref<128x128xf32, #tpu.memory_space<vmem>>) offsets(%arg6 : memref<128xi32, #tpu.memory_space<vmem>>) semaphore(%arg10 : memref<!tpu.dma_semaphore, #tpu.memory_space<semaphore_mem>>)
      "tpu.region"() ({
        %run_scoped3A = tpu.sem_alloc : memref<!tpu.dma_semaphore, #tpu.memory_space<semaphore_mem>>
        %dma_start3A_41 = tpu.memref_slice %arg4[%add3A_34] : memref<320000xi32, #tpu.memory_space<hbm>> -> memref<128xi32, #tpu.memory_space<hbm>>
        %dma_start3A_42 = tpu.memref_slice %arg4[%add3A_34] : memref<320000xi32, #tpu.memory_space<hbm>> -> memref<128xi32, #tpu.memory_space<hbm>>
        tpu.enqueue_dma source(%dma_start3A_42 : memref<128xi32, #tpu.memory_space<hbm>>) target(%arg7 : memref<128xi32, #tpu.memory_space<vmem>>) target_semaphore(%run_scoped3A : memref<!tpu.dma_semaphore, #tpu.memory_space<semaphore_mem>>)
        %dma_wait3A_43 = tpu.memref_slice %arg4[%add3A_34] : memref<320000xi32, #tpu.memory_space<hbm>> -> memref<128xi32, #tpu.memory_space<hbm>>
        %dma_wait3A_44 = tpu.memref_slice %arg4[%add3A_34] : memref<320000xi32, #tpu.memory_space<hbm>> -> memref<128xi32, #tpu.memory_space<hbm>>
        tpu.wait_dma2 semaphore(%run_scoped3A : memref<!tpu.dma_semaphore, #tpu.memory_space<semaphore_mem>>) src(%dma_wait3A_44 : memref<128xi32, #tpu.memory_space<hbm>>) dst(%arg7 : memref<128xi32, #tpu.memory_space<vmem>>)
        tpu.yield
      }) : () -> ()
      %dma_wait3A_38 = arith.constant 0 : i32
      %dma_wait3A_39 = arith.constant 0 : i32
      %dma_wait3A_40 = tpu.memref_slice %arg2[%dma_wait3A_38, %dma_wait3A_39] : memref<10000x128xf32, #tpu.memory_space<hbm>> -> memref<10000x128xf32, #tpu.memory_space<hbm>>
      tpu.wait_indirect_dma semaphore(%arg10 : memref<!tpu.dma_semaphore, #tpu.memory_space<semaphore_mem>>) src(%dma_wait3A_40 : memref<10000x128xf32, #tpu.memory_space<hbm>>) dst(%arg8 : memref<128x128xf32, #tpu.memory_space<vmem>>)
      "tpu.region"() ({
        %run_scoped3A = tpu.sem_alloc : memref<!tpu.dma_semaphore, #tpu.memory_space<semaphore_mem>>
        %dma_start3A_41 = arith.constant 0 : i32
        %dma_start3A_42 = arith.constant 0 : i32
        %dma_start3A_43 = tpu.memref_slice %arg9[%dma_start3A_41, %dma_start3A_42] : memref<10000x128xf32, #tpu.memory_space<vmem_shared>> -> memref<10000x128xf32, #tpu.memory_space<vmem_shared>>
        tpu.enqueue_indirect_dma source(%arg8 : memref<128x128xf32, #tpu.memory_space<vmem>>) target(%dma_start3A_43 : memref<10000x128xf32, #tpu.memory_space<vmem_shared>>) offsets(%arg7 : memref<128xi32, #tpu.memory_space<vmem>>) semaphore(%run_scoped3A : memref<!tpu.dma_semaphore, #tpu.memory_space<semaphore_mem>>) {add = true}
        %dma_wait3A_44 = arith.constant 0 : i32
        %dma_wait3A_45 = arith.constant 0 : i32
        %dma_wait3A_46 = tpu.memref_slice %arg9[%dma_wait3A_44, %dma_wait3A_45] : memref<10000x128xf32, #tpu.memory_space<vmem_shared>> -> memref<10000x128xf32, #tpu.memory_space<vmem_shared>>
        tpu.wait_indirect_dma semaphore(%run_scoped3A : memref<!tpu.dma_semaphore, #tpu.memory_space<semaphore_mem>>) src(%arg8 : memref<128x128xf32, #tpu.memory_space<vmem>>) dst(%dma_wait3A_46 : memref<10000x128xf32, #tpu.memory_space<vmem_shared>>)
        tpu.yield
      }) : () -> ()
    }
    %scan3A_13 = arith.constant 78 : i32
    %add3A_14 = arith.constant 9984 : i32
    %add3A_15 = arith.addi %mul3A_8, %add3A_14 : i32
    "tpu.region"() ({
      %run_scoped3A = tpu.sem_alloc : memref<!tpu.dma_semaphore, #tpu.memory_space<semaphore_mem>>
      %dma_start3A_31 = tpu.memref_slice %arg3[%add3A_15] : memref<320000xi32, #tpu.memory_space<hbm>> -> memref<16xi32, #tpu.memory_space<hbm>>
      %dma_start3A_32 = tpu.memref_slice %arg3[%add3A_15] : memref<320000xi32, #tpu.memory_space<hbm>> -> memref<16xi32, #tpu.memory_space<hbm>>
      tpu.enqueue_dma source(%dma_start3A_32 : memref<16xi32, #tpu.memory_space<hbm>>) target(%arg11 : memref<16xi32, #tpu.memory_space<vmem>>) target_semaphore(%run_scoped3A : memref<!tpu.dma_semaphore, #tpu.memory_space<semaphore_mem>>)
      %dma_wait3A_33 = tpu.memref_slice %arg3[%add3A_15] : memref<320000xi32, #tpu.memory_space<hbm>> -> memref<16xi32, #tpu.memory_space<hbm>>
      %dma_wait3A_34 = tpu.memref_slice %arg3[%add3A_15] : memref<320000xi32, #tpu.memory_space<hbm>> -> memref<16xi32, #tpu.memory_space<hbm>>
      tpu.wait_dma2 semaphore(%run_scoped3A : memref<!tpu.dma_semaphore, #tpu.memory_space<semaphore_mem>>) src(%dma_wait3A_34 : memref<16xi32, #tpu.memory_space<hbm>>) dst(%arg11 : memref<16xi32, #tpu.memory_space<vmem>>)
      tpu.yield
    }) : () -> ()
    %dma_start3A = arith.constant 0 : i32
    %dma_start3A_16 = arith.constant 0 : i32
    %dma_start3A_17 = tpu.memref_slice %arg2[%dma_start3A, %dma_start3A_16] : memref<10000x128xf32, #tpu.memory_space<hbm>> -> memref<10000x128xf32, #tpu.memory_space<hbm>>
    tpu.enqueue_indirect_dma source(%dma_start3A_17 : memref<10000x128xf32, #tpu.memory_space<hbm>>) target(%arg13 : memref<16x128xf32, #tpu.memory_space<vmem>>) offsets(%arg11 : memref<16xi32, #tpu.memory_space<vmem>>) semaphore(%arg10 : memref<!tpu.dma_semaphore, #tpu.memory_space<semaphore_mem>>)
    "tpu.region"() ({
      %run_scoped3A = tpu.sem_alloc : memref<!tpu.dma_semaphore, #tpu.memory_space<semaphore_mem>>
      %dma_start3A_31 = tpu.memref_slice %arg4[%add3A_15] : memref<320000xi32, #tpu.memory_space<hbm>> -> memref<16xi32, #tpu.memory_space<hbm>>
      %dma_start3A_32 = tpu.memref_slice %arg4[%add3A_15] : memref<320000xi32, #tpu.memory_space<hbm>> -> memref<16xi32, #tpu.memory_space<hbm>>
      tpu.enqueue_dma source(%dma_start3A_32 : memref<16xi32, #tpu.memory_space<hbm>>) target(%arg12 : memref<16xi32, #tpu.memory_space<vmem>>) target_semaphore(%run_scoped3A : memref<!tpu.dma_semaphore, #tpu.memory_space<semaphore_mem>>)
      %dma_wait3A_33 = tpu.memref_slice %arg4[%add3A_15] : memref<320000xi32, #tpu.memory_space<hbm>> -> memref<16xi32, #tpu.memory_space<hbm>>
      %dma_wait3A_34 = tpu.memref_slice %arg4[%add3A_15] : memref<320000xi32, #tpu.memory_space<hbm>> -> memref<16xi32, #tpu.memory_space<hbm>>
      tpu.wait_dma2 semaphore(%run_scoped3A : memref<!tpu.dma_semaphore, #tpu.memory_space<semaphore_mem>>) src(%dma_wait3A_34 : memref<16xi32, #tpu.memory_space<hbm>>) dst(%arg12 : memref<16xi32, #tpu.memory_space<vmem>>)
      tpu.yield
    }) : () -> ()
    %dma_wait3A = arith.constant 0 : i32
    %dma_wait3A_18 = arith.constant 0 : i32
    %dma_wait3A_19 = tpu.memref_slice %arg2[%dma_wait3A, %dma_wait3A_18] : memref<10000x128xf32, #tpu.memory_space<hbm>> -> memref<10000x128xf32, #tpu.memory_space<hbm>>
    tpu.wait_indirect_dma semaphore(%arg10 : memref<!tpu.dma_semaphore, #tpu.memory_space<semaphore_mem>>) src(%dma_wait3A_19 : memref<10000x128xf32, #tpu.memory_space<hbm>>) dst(%arg13 : memref<16x128xf32, #tpu.memory_space<vmem>>)
    "tpu.region"() ({
      %run_scoped3A = tpu.sem_alloc : memref<!tpu.dma_semaphore, #tpu.memory_space<semaphore_mem>>
      %dma_start3A_31 = arith.constant 0 : i32
      %dma_start3A_32 = arith.constant 0 : i32
      %dma_start3A_33 = tpu.memref_slice %arg9[%dma_start3A_31, %dma_start3A_32] : memref<10000x128xf32, #tpu.memory_space<vmem_shared>> -> memref<10000x128xf32, #tpu.memory_space<vmem_shared>>
      tpu.enqueue_indirect_dma source(%arg13 : memref<16x128xf32, #tpu.memory_space<vmem>>) target(%dma_start3A_33 : memref<10000x128xf32, #tpu.memory_space<vmem_shared>>) offsets(%arg12 : memref<16xi32, #tpu.memory_space<vmem>>) semaphore(%run_scoped3A : memref<!tpu.dma_semaphore, #tpu.memory_space<semaphore_mem>>) {add = true}
      %dma_wait3A_34 = arith.constant 0 : i32
      %dma_wait3A_35 = arith.constant 0 : i32
      %dma_wait3A_36 = tpu.memref_slice %arg9[%dma_wait3A_34, %dma_wait3A_35] : memref<10000x128xf32, #tpu.memory_space<vmem_shared>> -> memref<10000x128xf32, #tpu.memory_space<vmem_shared>>
      tpu.wait_indirect_dma semaphore(%run_scoped3A : memref<!tpu.dma_semaphore, #tpu.memory_space<semaphore_mem>>) src(%arg13 : memref<16x128xf32, #tpu.memory_space<vmem>>) dst(%dma_wait3A_36 : memref<10000x128xf32, #tpu.memory_space<vmem_shared>>)
      tpu.yield
    }) : () -> ()
    %barrier3A_20 = arith.constant 0 : index
    tpu.barrier barrier_id(%barrier3A_20)
    %lt3A_21 = arith.constant 15 : i32
    %lt3A_22 = arith.cmpi slt, %arg1, %lt3A_21 : i32
    %convert_element_type3A_23 = arith.extui %lt3A_22 : i1 to i32
    %cond3A_24 = arith.constant 0 : i32
    %cond3A_25 = arith.cmpi ne, %convert_element_type3A_23, %cond3A_24 : i32
    scf.if %cond3A_25 {
      %mul3A_31 = arith.constant 624 : i32
      %mul3A_32 = arith.muli %arg1, %mul3A_31 : i32
      "tpu.region"() ({
        %run_scoped3A = tpu.sem_alloc : memref<!tpu.dma_semaphore, #tpu.memory_space<semaphore_mem>>
        %dma_start3A_33 = arith.constant 0 : i32
        %dma_start3A_34 = tpu.memref_slice %arg5[%arg0, %mul3A_32, %dma_start3A_33] : memref<2x10000x128xf32, #tpu.memory_space<hbm>> -> memref<1x624x128xf32, #tpu.memory_space<hbm>>
        %dma_start3A_35 = tpu.memref_squeeze %dma_start3A_34 : memref<1x624x128xf32, #tpu.memory_space<hbm>> -> memref<624x128xf32, #tpu.memory_space<hbm>>
        %dma_start3A_36 = arith.constant 0 : i32
        %dma_start3A_37 = tpu.memref_slice %arg9[%mul3A_32, %dma_start3A_36] : memref<10000x128xf32, #tpu.memory_space<vmem_shared>> -> memref<624x128xf32, #tpu.memory_space<vmem_shared>>
        tpu.enqueue_dma source(%dma_start3A_37 : memref<624x128xf32, #tpu.memory_space<vmem_shared>>) target(%dma_start3A_35 : memref<624x128xf32, #tpu.memory_space<hbm>>) target_semaphore(%run_scoped3A : memref<!tpu.dma_semaphore, #tpu.memory_space<semaphore_mem>>)
        %dma_wait3A_38 = arith.constant 0 : i32
        %dma_wait3A_39 = tpu.memref_slice %arg5[%arg0, %mul3A_32, %dma_wait3A_38] : memref<2x10000x128xf32, #tpu.memory_space<hbm>> -> memref<1x624x128xf32, #tpu.memory_space<hbm>>
        %dma_wait3A_40 = tpu.memref_squeeze %dma_wait3A_39 : memref<1x624x128xf32, #tpu.memory_space<hbm>> -> memref<624x128xf32, #tpu.memory_space<hbm>>
        %dma_wait3A_41 = arith.constant 0 : i32
        %dma_wait3A_42 = tpu.memref_slice %arg9[%mul3A_32, %dma_wait3A_41] : memref<10000x128xf32, #tpu.memory_space<vmem_shared>> -> memref<624x128xf32, #tpu.memory_space<vmem_shared>>
        tpu.wait_dma2 semaphore(%run_scoped3A : memref<!tpu.dma_semaphore, #tpu.memory_space<semaphore_mem>>) src(%dma_wait3A_42 : memref<624x128xf32, #tpu.memory_space<vmem_shared>>) dst(%dma_wait3A_40 : memref<624x128xf32, #tpu.memory_space<hbm>>)
        tpu.yield
      }) : () -> ()
    } else {
    }
    %eq3A_26 = arith.constant 15 : i32
    %eq3A_27 = arith.cmpi eq, %arg1, %eq3A_26 : i32
    %convert_element_type3A_28 = arith.extui %eq3A_27 : i1 to i32
    %cond3A_29 = arith.constant 0 : i32
    %cond3A_30 = arith.cmpi ne, %convert_element_type3A_28, %cond3A_29 : i32
    scf.if %cond3A_30 {
      "tpu.region"() ({
        %run_scoped3A = tpu.sem_alloc : memref<!tpu.dma_semaphore, #tpu.memory_space<semaphore_mem>>
        %dma_start3A_31 = arith.constant 9360 : i32
        %dma_start3A_32 = arith.constant 0 : i32
        %dma_start3A_33 = tpu.memref_slice %arg5[%arg0, %dma_start3A_31, %dma_start3A_32] : memref<2x10000x128xf32, #tpu.memory_space<hbm>> -> memref<1x640x128xf32, #tpu.memory_space<hbm>>
        %dma_start3A_34 = tpu.memref_squeeze %dma_start3A_33 : memref<1x640x128xf32, #tpu.memory_space<hbm>> -> memref<640x128xf32, #tpu.memory_space<hbm>>
        %dma_start3A_35 = arith.constant 9360 : i32
        %dma_start3A_36 = arith.constant 0 : i32
        %dma_start3A_37 = tpu.memref_slice %arg9[%dma_start3A_35, %dma_start3A_36] : memref<10000x128xf32, #tpu.memory_space<vmem_shared>> -> memref<640x128xf32, #tpu.memory_space<vmem_shared>>
        tpu.enqueue_dma source(%dma_start3A_37 : memref<640x128xf32, #tpu.memory_space<vmem_shared>>) target(%dma_start3A_34 : memref<640x128xf32, #tpu.memory_space<hbm>>) target_semaphore(%run_scoped3A : memref<!tpu.dma_semaphore, #tpu.memory_space<semaphore_mem>>)
        %dma_wait3A_38 = arith.constant 9360 : i32
        %dma_wait3A_39 = arith.constant 0 : i32
        %dma_wait3A_40 = tpu.memref_slice %arg5[%arg0, %dma_wait3A_38, %dma_wait3A_39] : memref<2x10000x128xf32, #tpu.memory_space<hbm>> -> memref<1x640x128xf32, #tpu.memory_space<hbm>>
        %dma_wait3A_41 = tpu.memref_squeeze %dma_wait3A_40 : memref<1x640x128xf32, #tpu.memory_space<hbm>> -> memref<640x128xf32, #tpu.memory_space<hbm>>
        %dma_wait3A_42 = arith.constant 9360 : i32
        %dma_wait3A_43 = arith.constant 0 : i32
        %dma_wait3A_44 = tpu.memref_slice %arg9[%dma_wait3A_42, %dma_wait3A_43] : memref<10000x128xf32, #tpu.memory_space<vmem_shared>> -> memref<640x128xf32, #tpu.memory_space<vmem_shared>>
        tpu.wait_dma2 semaphore(%run_scoped3A : memref<!tpu.dma_semaphore, #tpu.memory_space<semaphore_mem>>) src(%dma_wait3A_44 : memref<640x128xf32, #tpu.memory_space<vmem_shared>>) dst(%dma_wait3A_41 : memref<640x128xf32, #tpu.memory_space<hbm>>)
        tpu.yield
      }) : () -> ()
    } else {
    }
    return
  }
}

module attributes {stable_mosaic.version = 14 : i64} {
  func.func @body(%arg0: memref<10000x128xf32, #tpu.memory_space<vmem>>, %arg1: memref<2x10000x128xf32, #tpu.memory_space<vmem>>, %arg2: memref<10000xi32, #tpu.memory_space<vmem>>, %arg3: memref<128x128xf32, #tpu.memory_space<vmem>>, %arg4: memref<128xf32, #tpu.memory_space<vmem>>, %arg5: memref<128x128xf32, #tpu.memory_space<vmem>>, %arg6: memref<128xf32, #tpu.memory_space<vmem>>, %arg7: memref<128xf32, #tpu.memory_space<vmem>>, %arg8: memref<128xf32, #tpu.memory_space<vmem>>, %arg9: memref<128x128xf32, #tpu.memory_space<vmem>>, %arg10: memref<128xf32, #tpu.memory_space<vmem>>, %arg11: memref<64x128xf32, #tpu.memory_space<vmem>>) attributes {dimension_semantics = [], scalar_prefetch = 0 : i64, scratch_operands = 0 : i64, tpu.core_type = #tpu.core_type<tc>} {
    %get3A = arith.constant 0 : index
    %get3A_0 = arith.constant 0 : index
    %get3A_1 = arith.constant 0 : index
    %get3A_2 = vector.load %arg1[%get3A, %get3A_0, %get3A_1] : memref<2x10000x128xf32, #tpu.memory_space<vmem>>, vector<1x10000x128xf32>
    %get3A_3 = vector.shape_cast %get3A_2 : vector<1x10000x128xf32> to vector<10000x128xf32>
    %get3A_4 = arith.constant 1 : index
    %get3A_5 = arith.constant 0 : index
    %get3A_6 = arith.constant 0 : index
    %get3A_7 = vector.load %arg1[%get3A_4, %get3A_5, %get3A_6] : memref<2x10000x128xf32, #tpu.memory_space<vmem>>, vector<1x10000x128xf32>
    %get3A_8 = vector.shape_cast %get3A_7 : vector<1x10000x128xf32> to vector<10000x128xf32>
    %add3A = arith.addf %get3A_3, %get3A_8 : vector<10000x128xf32>
    %get3A_9 = arith.constant 0 : index
    %get3A_10 = arith.constant 0 : index
    %get3A_11 = vector.load %arg0[%get3A_9, %get3A_10] : memref<10000x128xf32, #tpu.memory_space<vmem>>, vector<10000x128xf32>
    %sub3A = arith.subf %add3A, %get3A_11 : vector<10000x128xf32>
    %get3A_12 = arith.constant 0 : index
    %get3A_13 = arith.constant 0 : index
    %get3A_14 = vector.load %arg3[%get3A_12, %get3A_13] : memref<128x128xf32, #tpu.memory_space<vmem>>, vector<128x128xf32>
    %get3A_15 = arith.constant 0 : index
    %get3A_16 = vector.load %arg4[%get3A_15] : memref<128xf32, #tpu.memory_space<vmem>>, vector<128xf32>
    %get3A_17 = arith.constant 0 : index
    %get3A_18 = arith.constant 0 : index
    %get3A_19 = vector.load %arg5[%get3A_17, %get3A_18] : memref<128x128xf32, #tpu.memory_space<vmem>>, vector<128x128xf32>
    %get3A_20 = arith.constant 0 : index
    %get3A_21 = vector.load %arg6[%get3A_20] : memref<128xf32, #tpu.memory_space<vmem>>, vector<128xf32>
    %get3A_22 = arith.constant 0 : index
    %get3A_23 = vector.load %arg7[%get3A_22] : memref<128xf32, #tpu.memory_space<vmem>>, vector<128xf32>
    %get3A_24 = arith.constant 0 : index
    %get3A_25 = vector.load %arg8[%get3A_24] : memref<128xf32, #tpu.memory_space<vmem>>, vector<128xf32>
    %dot_general3A = arith.constant dense<0.000000e+00> : vector<10000x128xf32>
    %dot_general3A_26 = tpu.matmul %sub3A, %get3A_14, %dot_general3A {dimension_numbers = #tpu.dot_dimension_numbers<[1], [0], [0], [1], [0, 0, 1, 1], [], []>, precision = #tpu.contract_precision<fp32>, transpose_lhs_hint = false} : vector<10000x128xf32>, vector<128x128xf32>, vector<10000x128xf32> -> vector<10000x128xf32>
    %broadcast_in_dim3A = vector.shape_cast %get3A_16 : vector<128xf32> to vector<1x128xf32>
    %add3A_27 = vector.broadcast %broadcast_in_dim3A : vector<1x128xf32> to vector<10000x128xf32>
    %add3A_28 = arith.addf %dot_general3A_26, %add3A_27 : vector<10000x128xf32>
    %max3A = arith.constant 0.000000e+00 : f32
    %max3A_29 = vector.broadcast %max3A : f32 to vector<10000x128xf32>
    %max3A_30 = arith.maximumf %add3A_28, %max3A_29 : vector<10000x128xf32>
    %dot_general3A_31 = arith.constant dense<0.000000e+00> : vector<10000x128xf32>
    %dot_general3A_32 = tpu.matmul %max3A_30, %get3A_19, %dot_general3A_31 {dimension_numbers = #tpu.dot_dimension_numbers<[1], [0], [0], [1], [0, 0, 1, 1], [], []>, precision = #tpu.contract_precision<fp32>, transpose_lhs_hint = false} : vector<10000x128xf32>, vector<128x128xf32>, vector<10000x128xf32> -> vector<10000x128xf32>
    %broadcast_in_dim3A_33 = vector.shape_cast %get3A_21 : vector<128xf32> to vector<1x128xf32>
    %add3A_34 = vector.broadcast %broadcast_in_dim3A_33 : vector<1x128xf32> to vector<10000x128xf32>
    %add3A_35 = arith.addf %dot_general3A_32, %add3A_34 : vector<10000x128xf32>
    %reduce_sum3A = arith.constant dense<0.000000e+00> : vector<128xf32>
    %reduce_sum3A_36 = vector.multi_reduction <add>, %add3A_35, %reduce_sum3A [0] : vector<10000x128xf32> to vector<128xf32>
    %broadcast_in_dim3A_37 = vector.shape_cast %reduce_sum3A_36 : vector<128xf32> to vector<1x128xf32>
    %div3A = arith.constant 1.000000e+04 : f32
    %div3A_38 = vector.broadcast %div3A : f32 to vector<1x128xf32>
    %div3A_39 = arith.divf %broadcast_in_dim3A_37, %div3A_38 : vector<1x128xf32>
    %sub3A_40 = vector.broadcast %div3A_39 : vector<1x128xf32> to vector<10000x128xf32>
    %sub3A_41 = arith.subf %add3A_35, %sub3A_40 : vector<10000x128xf32>
    %integer_pow3A = arith.mulf %sub3A_41, %sub3A_41 : vector<10000x128xf32>
    %reduce_sum3A_42 = arith.constant dense<0.000000e+00> : vector<128xf32>
    %reduce_sum3A_43 = vector.multi_reduction <add>, %integer_pow3A, %reduce_sum3A_42 [0] : vector<10000x128xf32> to vector<128xf32>
    %broadcast_in_dim3A_44 = vector.shape_cast %reduce_sum3A_43 : vector<128xf32> to vector<1x128xf32>
    %div3A_45 = arith.constant 1.000000e+04 : f32
    %div3A_46 = vector.broadcast %div3A_45 : f32 to vector<1x128xf32>
    %div3A_47 = arith.divf %broadcast_in_dim3A_44, %div3A_46 : vector<1x128xf32>
    %sub3A_48 = vector.broadcast %div3A_39 : vector<1x128xf32> to vector<10000x128xf32>
    %sub3A_49 = arith.subf %add3A_35, %sub3A_48 : vector<10000x128xf32>
    %broadcast_in_dim3A_50 = vector.shape_cast %get3A_23 : vector<128xf32> to vector<1x128xf32>
    %mul3A = vector.broadcast %broadcast_in_dim3A_50 : vector<1x128xf32> to vector<10000x128xf32>
    %mul3A_51 = arith.mulf %mul3A, %sub3A_49 : vector<10000x128xf32>
    %add3A_52 = arith.constant 9.99999974E-6 : f32
    %add3A_53 = vector.broadcast %add3A_52 : f32 to vector<1x128xf32>
    %add3A_54 = arith.addf %div3A_47, %add3A_53 : vector<1x128xf32>
    %sqrt3A = math.sqrt %add3A_54 : vector<1x128xf32>
    %div3A_55 = vector.broadcast %sqrt3A : vector<1x128xf32> to vector<10000x128xf32>
    %div3A_56 = arith.divf %mul3A_51, %div3A_55 : vector<10000x128xf32>
    %broadcast_in_dim3A_57 = vector.shape_cast %get3A_25 : vector<128xf32> to vector<1x128xf32>
    %add3A_58 = vector.broadcast %broadcast_in_dim3A_57 : vector<1x128xf32> to vector<10000x128xf32>
    %add3A_59 = arith.addf %div3A_56, %add3A_58 : vector<10000x128xf32>
    %max3A_60 = arith.constant 0.000000e+00 : f32
    %max3A_61 = vector.broadcast %max3A_60 : f32 to vector<10000x128xf32>
    %max3A_62 = arith.maximumf %add3A_59, %max3A_61 : vector<10000x128xf32>
    %get3A_63 = arith.constant 0 : index
    %get3A_64 = vector.load %arg2[%get3A_63] : memref<10000xi32, #tpu.memory_space<vmem>>, vector<10000xi32>
    %iota3A = tpu.iota {dimensions = array<i32: 0>} : vector<64x10000xi32>
    %broadcast_in_dim3A_65 = vector.shape_cast %get3A_64 : vector<10000xi32> to vector<1x10000xi32>
    %eq3A = vector.broadcast %broadcast_in_dim3A_65 : vector<1x10000xi32> to vector<64x10000xi32>
    %eq3A_66 = arith.cmpi eq, %eq3A, %iota3A : vector<64x10000xi32>
    %convert_element_type3A = arith.extui %eq3A_66 : vector<64x10000xi1> to vector<64x10000xi32>
    %convert_element_type3A_67 = arith.sitofp %convert_element_type3A : vector<64x10000xi32> to vector<64x10000xf32>
    %dot_general3A_68 = arith.constant dense<0.000000e+00> : vector<64x128xf32>
    %dot_general3A_69 = tpu.matmul %convert_element_type3A_67, %max3A_62, %dot_general3A_68 {dimension_numbers = #tpu.dot_dimension_numbers<[1], [0], [0], [1], [0, 0, 1, 1], [], []>, precision = #tpu.contract_precision<fp32>, transpose_lhs_hint = false} : vector<64x10000xf32>, vector<10000x128xf32>, vector<64x128xf32> -> vector<64x128xf32>
    %get3A_70 = arith.constant 0 : index
    %get3A_71 = arith.constant 0 : index
    %get3A_72 = vector.load %arg9[%get3A_70, %get3A_71] : memref<128x128xf32, #tpu.memory_space<vmem>>, vector<128x128xf32>
    %dot_general3A_73 = arith.constant dense<0.000000e+00> : vector<64x128xf32>
    %dot_general3A_74 = tpu.matmul %dot_general3A_69, %get3A_72, %dot_general3A_73 {dimension_numbers = #tpu.dot_dimension_numbers<[1], [0], [0], [1], [0, 0, 1, 1], [], []>, precision = #tpu.contract_precision<fp32>, transpose_lhs_hint = false} : vector<64x128xf32>, vector<128x128xf32>, vector<64x128xf32> -> vector<64x128xf32>
    %get3A_75 = arith.constant 0 : index
    %get3A_76 = vector.load %arg10[%get3A_75] : memref<128xf32, #tpu.memory_space<vmem>>, vector<128xf32>
    %broadcast_in_dim3A_77 = vector.shape_cast %get3A_76 : vector<128xf32> to vector<1x128xf32>
    %add3A_78 = vector.broadcast %broadcast_in_dim3A_77 : vector<1x128xf32> to vector<64x128xf32>
    %add3A_79 = arith.addf %dot_general3A_74, %add3A_78 : vector<64x128xf32>
    %swap3A = arith.constant 0 : index
    %swap3A_80 = arith.constant 0 : index
    %swap3A_81 = vector.load %arg11[%swap3A, %swap3A_80] : memref<64x128xf32, #tpu.memory_space<vmem>>, vector<64x128xf32>
    tpu.vector_store %arg11[%swap3A, %swap3A_80], %add3A_79 {strides = array<i32>} : memref<64x128xf32, #tpu.memory_space<vmem>>, vector<64x128xf32>,
    return
  }
}

module attributes {stable_mosaic.version = 14 : i64} {
  func.func @body(%arg0: memref<10000x128xf32, #tpu.memory_space<vmem>>, %arg1: memref<2x10000x128xf32, #tpu.memory_space<vmem>>, %arg2: memref<128x128xf32, #tpu.memory_space<vmem>>, %arg3: memref<128xf32, #tpu.memory_space<vmem>>, %arg4: memref<128x128xf32, #tpu.memory_space<vmem>>, %arg5: memref<128xf32, #tpu.memory_space<vmem>>, %arg6: memref<128xf32, #tpu.memory_space<vmem>>, %arg7: memref<128xf32, #tpu.memory_space<vmem>>, %arg8: memref<10000x128xf32, #tpu.memory_space<vmem>>) attributes {dimension_semantics = [], scalar_prefetch = 0 : i64, scratch_operands = 0 : i64, tpu.core_type = #tpu.core_type<tc>} {
    %get3A = arith.constant 0 : index
    %get3A_0 = arith.constant 0 : index
    %get3A_1 = arith.constant 0 : index
    %get3A_2 = vector.load %arg1[%get3A, %get3A_0, %get3A_1] : memref<2x10000x128xf32, #tpu.memory_space<vmem>>, vector<1x10000x128xf32>
    %get3A_3 = vector.shape_cast %get3A_2 : vector<1x10000x128xf32> to vector<10000x128xf32>
    %get3A_4 = arith.constant 1 : index
    %get3A_5 = arith.constant 0 : index
    %get3A_6 = arith.constant 0 : index
    %get3A_7 = vector.load %arg1[%get3A_4, %get3A_5, %get3A_6] : memref<2x10000x128xf32, #tpu.memory_space<vmem>>, vector<1x10000x128xf32>
    %get3A_8 = vector.shape_cast %get3A_7 : vector<1x10000x128xf32> to vector<10000x128xf32>
    %add3A = arith.addf %get3A_3, %get3A_8 : vector<10000x128xf32>
    %get3A_9 = arith.constant 0 : index
    %get3A_10 = arith.constant 0 : index
    %get3A_11 = vector.load %arg0[%get3A_9, %get3A_10] : memref<10000x128xf32, #tpu.memory_space<vmem>>, vector<10000x128xf32>
    %sub3A = arith.subf %add3A, %get3A_11 : vector<10000x128xf32>
    %get3A_12 = arith.constant 0 : index
    %get3A_13 = arith.constant 0 : index
    %get3A_14 = vector.load %arg2[%get3A_12, %get3A_13] : memref<128x128xf32, #tpu.memory_space<vmem>>, vector<128x128xf32>
    %get3A_15 = arith.constant 0 : index
    %get3A_16 = vector.load %arg3[%get3A_15] : memref<128xf32, #tpu.memory_space<vmem>>, vector<128xf32>
    %get3A_17 = arith.constant 0 : index
    %get3A_18 = arith.constant 0 : index
    %get3A_19 = vector.load %arg4[%get3A_17, %get3A_18] : memref<128x128xf32, #tpu.memory_space<vmem>>, vector<128x128xf32>
    %get3A_20 = arith.constant 0 : index
    %get3A_21 = vector.load %arg5[%get3A_20] : memref<128xf32, #tpu.memory_space<vmem>>, vector<128xf32>
    %get3A_22 = arith.constant 0 : index
    %get3A_23 = vector.load %arg6[%get3A_22] : memref<128xf32, #tpu.memory_space<vmem>>, vector<128xf32>
    %get3A_24 = arith.constant 0 : index
    %get3A_25 = vector.load %arg7[%get3A_24] : memref<128xf32, #tpu.memory_space<vmem>>, vector<128xf32>
    %dot_general3A = arith.constant dense<0.000000e+00> : vector<10000x128xf32>
    %dot_general3A_26 = tpu.matmul %sub3A, %get3A_14, %dot_general3A {dimension_numbers = #tpu.dot_dimension_numbers<[1], [0], [0], [1], [0, 0, 1, 1], [], []>, precision = #tpu.contract_precision<fp32>, transpose_lhs_hint = false} : vector<10000x128xf32>, vector<128x128xf32>, vector<10000x128xf32> -> vector<10000x128xf32>
    %broadcast_in_dim3A = vector.shape_cast %get3A_16 : vector<128xf32> to vector<1x128xf32>
    %add3A_27 = vector.broadcast %broadcast_in_dim3A : vector<1x128xf32> to vector<10000x128xf32>
    %add3A_28 = arith.addf %dot_general3A_26, %add3A_27 : vector<10000x128xf32>
    %max3A = arith.constant 0.000000e+00 : f32
    %max3A_29 = vector.broadcast %max3A : f32 to vector<10000x128xf32>
    %max3A_30 = arith.maximumf %add3A_28, %max3A_29 : vector<10000x128xf32>
    %dot_general3A_31 = arith.constant dense<0.000000e+00> : vector<10000x128xf32>
    %dot_general3A_32 = tpu.matmul %max3A_30, %get3A_19, %dot_general3A_31 {dimension_numbers = #tpu.dot_dimension_numbers<[1], [0], [0], [1], [0, 0, 1, 1], [], []>, precision = #tpu.contract_precision<fp32>, transpose_lhs_hint = false} : vector<10000x128xf32>, vector<128x128xf32>, vector<10000x128xf32> -> vector<10000x128xf32>
    %broadcast_in_dim3A_33 = vector.shape_cast %get3A_21 : vector<128xf32> to vector<1x128xf32>
    %add3A_34 = vector.broadcast %broadcast_in_dim3A_33 : vector<1x128xf32> to vector<10000x128xf32>
    %add3A_35 = arith.addf %dot_general3A_32, %add3A_34 : vector<10000x128xf32>
    %reduce_sum3A = arith.constant dense<0.000000e+00> : vector<128xf32>
    %reduce_sum3A_36 = vector.multi_reduction <add>, %add3A_35, %reduce_sum3A [0] : vector<10000x128xf32> to vector<128xf32>
    %broadcast_in_dim3A_37 = vector.shape_cast %reduce_sum3A_36 : vector<128xf32> to vector<1x128xf32>
    %div3A = arith.constant 1.000000e+04 : f32
    %div3A_38 = vector.broadcast %div3A : f32 to vector<1x128xf32>
    %div3A_39 = arith.divf %broadcast_in_dim3A_37, %div3A_38 : vector<1x128xf32>
    %sub3A_40 = vector.broadcast %div3A_39 : vector<1x128xf32> to vector<10000x128xf32>
    %sub3A_41 = arith.subf %add3A_35, %sub3A_40 : vector<10000x128xf32>
    %integer_pow3A = arith.mulf %sub3A_41, %sub3A_41 : vector<10000x128xf32>
    %reduce_sum3A_42 = arith.constant dense<0.000000e+00> : vector<128xf32>
    %reduce_sum3A_43 = vector.multi_reduction <add>, %integer_pow3A, %reduce_sum3A_42 [0] : vector<10000x128xf32> to vector<128xf32>
    %broadcast_in_dim3A_44 = vector.shape_cast %reduce_sum3A_43 : vector<128xf32> to vector<1x128xf32>
    %div3A_45 = arith.constant 1.000000e+04 : f32
    %div3A_46 = vector.broadcast %div3A_45 : f32 to vector<1x128xf32>
    %div3A_47 = arith.divf %broadcast_in_dim3A_44, %div3A_46 : vector<1x128xf32>
    %sub3A_48 = vector.broadcast %div3A_39 : vector<1x128xf32> to vector<10000x128xf32>
    %sub3A_49 = arith.subf %add3A_35, %sub3A_48 : vector<10000x128xf32>
    %broadcast_in_dim3A_50 = vector.shape_cast %get3A_23 : vector<128xf32> to vector<1x128xf32>
    %mul3A = vector.broadcast %broadcast_in_dim3A_50 : vector<1x128xf32> to vector<10000x128xf32>
    %mul3A_51 = arith.mulf %mul3A, %sub3A_49 : vector<10000x128xf32>
    %add3A_52 = arith.constant 9.99999974E-6 : f32
    %add3A_53 = vector.broadcast %add3A_52 : f32 to vector<1x128xf32>
    %add3A_54 = arith.addf %div3A_47, %add3A_53 : vector<1x128xf32>
    %sqrt3A = math.sqrt %add3A_54 : vector<1x128xf32>
    %div3A_55 = vector.broadcast %sqrt3A : vector<1x128xf32> to vector<10000x128xf32>
    %div3A_56 = arith.divf %mul3A_51, %div3A_55 : vector<10000x128xf32>
    %broadcast_in_dim3A_57 = vector.shape_cast %get3A_25 : vector<128xf32> to vector<1x128xf32>
    %add3A_58 = vector.broadcast %broadcast_in_dim3A_57 : vector<1x128xf32> to vector<10000x128xf32>
    %add3A_59 = arith.addf %div3A_56, %add3A_58 : vector<10000x128xf32>
    %max3A_60 = arith.constant 0.000000e+00 : f32
    %max3A_61 = vector.broadcast %max3A_60 : f32 to vector<10000x128xf32>
    %max3A_62 = arith.maximumf %add3A_59, %max3A_61 : vector<10000x128xf32>
    %swap3A = arith.constant 0 : index
    %swap3A_63 = arith.constant 0 : index
    %swap3A_64 = vector.load %arg8[%swap3A, %swap3A_63] : memref<10000x128xf32, #tpu.memory_space<vmem>>, vector<10000x128xf32>
    tpu.vector_store %arg8[%swap3A, %swap3A_63], %max3A_62 {strides = array<i32>} : memref<10000x128xf32, #tpu.memory_space<vmem>>, vector<10000x128xf32>,
    return
  }
}

</mosaic_0001>

<sc_bundles>
// kernel: kernel.6.cloned.1.call-start
scs
__scs_entry_jumppad:
0x0: {  	(pc) =	sbr.rel $0x88, $3  }
0x1: {  	(tag) =	ssettag $0x0;
	lr =	simm.s32 $0x1  }
0x2: {  	[smem:$0x3F90] =	sst lr;
	_ =	strace $0xD0000000  }
0x3: {  	_ = 	snop  }
0x4: {  	_ = 	snop  }
0x5: {  	_ = 	snop  }
0x6: {  	_ = 	snop  }
0x7: {  	_ = 	snop  }
__scs_overlays_trampoline_lowered:
0x8: {  	[smem:$0x3F9F] =	sst s0  }
0x9: {  	[smem:$0x3FA0] =	sst s1  }
0xa: {  	[smem:$0x3FA1] =	sst s2  }
0xb: {  	[smem:$0x3FA2] =	sst s3  }
0xc: {  	[smem:$0x3FA3] =	sst s4  }
0xd: {  	[smem:$0x3FA4] =	sst s5  }
0xe: {  	[smem:$0x3FA5] =	sst s6  }
0xf: {  	[smem:$0x3FA6] =	sst s7  }
0x10: {  	[smem:$0x3FA7] =	sst s8  }
0x11: {  	[smem:$0x3FA8] =	sst s9;
	s0 =	simm.s32 @!p0 $0x0  }
0x12: {  	s1 =	sld [smem:$0x3F8E];
	s0 =	simm.s32 @p0 $0x1  }
0x13: {  	[smem:$0x3FA9] =	sst s0;
	s0 =	simm.s32 @!p1 $0x0  }
0x14: {  	s2 =	sld [smem:$0x3F8D];
	s0 =	simm.s32 @p1 $0x1  }
0x15: {  	[smem:$0x3FAA] =	sst s0;
	s0 =	simm.s32 @!p2 $0x0  }
0x16: {  	s3 =	sld [smem:$0x3FDB];
	s0 =	simm.s32 @p2 $0x1  }
0x17: {  	s4 =	simm.s32 $0x1BF5;
	[smem:$0x3FAC] =	sst s0  }
0x18: {  	s0 =	sld [smem:$0x3F8F];
	_ =	swait.ge [sflag:s4], $0x0  }
0x19: {  	s7 =	sld [smem:$0x3F90]  }
0x1a: {  	s8 =	sadd.s32 $0xFFFFE003, lr  }
0x1b: {  	s9 =	sadd.s32 $0xFFFFFEF7, lr;
	s5 =	simm.s32 $0xFFFFFFFF;
	p2 =	slt.u32 s8, $0xFFFFF086  }
0x1c: {  	p1 =	slt.u32 s9, $0xF7A;
	s5 =	simm.s32 @!p2 $0x0  }
0x1d: {  	s5 =	simm.s32 @p1 $0x1;
	p0 =	seq.s32 s7, s2  }
0x1e: {  	s7 =	smul.u32 @!p0 $0xF7A, s2;
	p2 =	seq.s32 @!p0 s5, $0x0  }
0x1f: {  	s9 =	smul.u32 $0xF7A, s1;
	s8 =	simm.s32 @!p0 $0x1BF5;
	p2 =	por !p2, p0  }
0x20: {  	[sflag:s8] =	ssyncset.s32 @!p0 $0xFFFFF086;
	s6 =	sadd.s32 @!p0 s3, s7;
	s7 =	simm.s32 @!p0 $0x108  }
0x21: {  	s3 =	sadd.s32 s3, s9;
	s6 =	sadd.s32 @!p0 $0x88, s6;
	s7 =	simm.s32 @p2 $0x1082  }
0x22: {  	[simem:s7], [sflag:s8] =	dma.local @!p0 [hbm:s6], $0xF7A  }
0x23: {  	s9 =	sor.u32 $0xD0000000, s2;
	s6 =	simm.s32 $0x108;
	_ =	swait.ge @!p0 [sflag:s8], $0x0  }
0x24: {  	s3 =	sadd.s32 $0x88, s3;
	s6 =	simm.s32 @!p1 $0x1082;
	[sflag:s4] =	ssyncset.s32 $0xFFFFF086  }
0x25: {  	[simem:s6], [sflag:s4] =	dma.local [hbm:s3], $0xF7A  }
0x26: {  	[smem:$0x3F90] =	sst s1;
	(tag) =	ssettag s2;
	_ =	strace s9  }
0x27: {  	s1 =	sld [smem:$0x3FA0]  }
0x28: {  	s2 =	sld [smem:$0x3FA1]  }
0x29: {  	s4 =	sld [smem:$0x3FA3]  }
0x2a: {  	p0 =	seq.s32 s5, $0x0;
	s5 =	sld [smem:$0x3FA4]  }
0x2b: {  	s6 =	sld [smem:$0x3FA5]  }
0x2c: {  	s7 =	sld [smem:$0x3FA6]  }
0x2d: {  	s3 =	simm.s32 $0x108;
	s8 =	sld [smem:$0x3FA7]  }
0x2e: {  	s3 =	simm.s32 @!p0 $0x1082;
	s9 =	sld [smem:$0x3FA8]  }
0x2f: {  	lr =	sadd.s32 s0, s3;
	s0 =	sld [smem:$0x3F9F]  }
0x30: {  	s3 =	sld [smem:$0x3FA2]  }
0x31: {  	[smem:$0x3FAB] =	sst s10  }
0x32: {  	s10 =	sld [smem:$0x3FA9];
	_ =	sdelay $0x3  }
0x33: {  	p0 =	seq.s32 s10, $0x1;
	s10 =	sld [smem:$0x3FAB];
	_ =	sdelay $0x3  }
0x34: {  	[smem:$0x3FAB] =	sst s10  }
0x35: {  	s10 =	sld [smem:$0x3FAA];
	_ =	sdelay $0x3  }
0x36: {  	p1 =	seq.s32 s10, $0x1;
	s10 =	sld [smem:$0x3FAB];
	_ =	sdelay $0x3  }
0x37: {  	[smem:$0x3FAB] =	sst s10  }
0x38: {  	s10 =	sld [smem:$0x3FAC]  }
0x39: {  	_ = 	snop;
	(pc) =	sbr.ind lr, $3  }
0x3a: {  	_ = 	snop  }
0x3b: {  	_ = 	snop  }
0x3c: {  	p2 =	seq.s32 s10, $0x1;
	s10 =	sld [smem:$0x3FAB]  }
0x3d: {  	_ =	shalt  }
0x3e: {  	_ =	shalt  }
0x3f: {  	_ =	shalt  }
0x40: {  	_ =	shalt  }
0x41: {  	_ =	shalt  }
0x42: {  	_ =	shalt  }
0x43: {  	_ =	shalt  }
0x44: {  	_ =	shalt  }
0x45: {  	_ =	shalt  }
0x46: {  	_ =	shalt  }
0x47: {  	_ =	shalt  }
0x48: {  	_ =	shalt  }
0x49: {  	_ =	shalt  }
0x4a: {  	_ =	shalt  }
0x4b: {  	_ =	shalt  }
0x4c: {  	_ =	shalt  }
0x4d: {  	_ =	shalt  }
0x4e: {  	_ =	shalt  }
0x4f: {  	_ =	shalt  }
0x50: {  	_ =	shalt  }
0x51: {  	_ =	shalt  }
0x52: {  	_ =	shalt  }
0x53: {  	_ =	shalt  }
0x54: {  	_ =	shalt  }
0x55: {  	_ =	shalt  }
0x56: {  	_ =	shalt  }
0x57: {  	_ =	shalt  }
0x58: {  	_ =	shalt  }
0x59: {  	_ =	shalt  }
0x5a: {  	_ =	shalt  }
0x5b: {  	_ =	shalt  }
0x5c: {  	_ =	shalt  }
0x5d: {  	_ =	shalt  }
0x5e: {  	_ =	shalt  }
0x5f: {  	_ =	shalt  }
0x60: {  	_ =	shalt  }
0x61: {  	_ =	shalt  }
0x62: {  	_ =	shalt  }
0x63: {  	_ =	shalt  }
0x64: {  	_ =	shalt  }
0x65: {  	_ =	shalt  }
0x66: {  	_ =	shalt  }
0x67: {  	_ =	shalt  }
0x68: {  	_ =	shalt  }
0x69: {  	_ =	shalt  }
0x6a: {  	_ =	shalt  }
0x6b: {  	_ =	shalt  }
0x6c: {  	_ =	shalt  }
0x6d: {  	_ =	shalt  }
0x6e: {  	_ =	shalt  }
0x6f: {  	_ =	shalt  }
0x70: {  	_ =	shalt  }
0x71: {  	_ =	shalt  }
0x72: {  	_ =	shalt  }
0x73: {  	_ =	shalt  }
0x74: {  	_ =	shalt  }
0x75: {  	_ =	shalt  }
0x76: {  	_ =	shalt  }
0x77: {  	_ =	shalt  }
0x78: {  	_ =	shalt  }
0x79: {  	_ =	shalt  }
0x7a: {  	_ =	shalt  }
0x7b: {  	_ =	shalt  }
0x7c: {  	_ =	shalt  }
0x7d: {  	_ =	shalt  }
0x7e: {  	_ =	shalt  }
0x7f: {  	_ =	shalt  }
0x80: {  	_ =	shalt  }
0x81: {  	_ =	shalt  }
0x82: {  	_ =	shalt  }
0x83: {  	_ =	shalt  }
0x84: {  	_ =	shalt  }
0x85: {  	_ =	shalt  }
0x86: {  	_ =	shalt  }
0x87: {  	_ =	shalt  }
.Lfunc_end0:
.L_simem_size_0:
called_computation_lowered:
.L_overlay_start_0:
0x88: {  	s2 =	sld [smem:$0x3FD9]  }
0x89: {  	s3 =	sld [smem:$0x3FFE];
	_ =	sdelay $0x1  }
0x8a: {  	s1 =	srdreg.scid  }
0x8b: {  	s0 =	sand.u32 $0x1, s1  }
0x8c: {  	s17 =	sshll.u32 s0, $0xA;
	s2 =	sadd.s32 s3, s2  }
0x8d: {  	s2 =	sadd.s32 s2, s17  }
0x8e: {  	[smem:$0x3FB7] =	sst s2  }
0x8f: {  	_ = 	snop  }
0x90: {  	s2 =	sld [smem:$0x3FC9];
	(tm) =	ssettm $0x1  }
0x91: {  	s18 =	sld [smem:$0x3FFB];
	_ =	sdelay $0x3  }
0x92: {  	_ =	strace s18  }
0x93: {  	s3 =	sld [smem:$0x3FFC];
	_ =	sdelay $0x3  }
0x94: {  	_ =	strace s3  }
0x95: {  	s3 =	sld [smem:$0x3FFD];
	_ =	sdelay $0x3  }
0x96: {  	_ =	strace s3  }
0x97: {  	_ =	strace $0x8FFFFFFF  }
0x98: {  	s19 =	sld [smem:$0x3FDB];
	_ =	sdelay $0x1  }
0x99: {  	s4 =	simm.s32 $_scs_section_size  }
0x9a: {  	s5 =	simm.s32 $_size__tile_overlayer_lowered;
	s6 =	simm.s32 $_tile_overlayer_lowered  }
0x9b: {  	s22 =	simm.s32 $0x1BFF;
	s21 =	sshll.u32 s6, $0x1;
	s3 =	sadd.s32 s4, s19  }
0x9c: {  	s7 =	simm.s32 $0x0;
	s20 =	sshll.u32 s5, $0x1;
	s5 =	sadd.s32 s21, s3  }
0x9d: {  	[timem:s7], [sflag:s22] =	dma.local [hbm:s5], s20  }
0x9e: {  	_ =	swait.ge [sflag:s22], s20  }
0x9f: {  	s4 =	ssub.s32 $0x0, s20;
	[sflag:s22] =	ssyncset.done $0x0  }
0xa0: {  	[sflag:s22] =	ssyncadd.s32 s4;
	_ =	sdelay $0x1  }
0xa1: {  	s23 =	simm.s32 $0x1B8B  }
0xa2: {  	_ =	swait.ge [sflag:s23], $0x1  }
0xa3: {  	[sflag:s23] =	ssyncset.done $0x0  }
0xa4: {  	s25 =	simm.s32 $0x1B8E;
	s24 =	sld [smem:$0x3FFE];
	[sflag:s23] =	ssyncadd.s32 $0xFFFFFFFF  }
0xa5: {  	s26 =	simm.s32 $execute0_lowered;
	[smem:$0x3FD2] =	sst s25  }
0xa6: {  	s5 =	sshll.u32 s26, $0x1;
	_ =	strace $0x80000046;
	[dreg:$0x1] =	wrdreg $0xFFFFFFFF  }
0xa7: {  	s28 =	simm.s32 $_size_execute0_lowered;
	s3 =	sadd.s32 s3, s5;
	[dreg:$0x0] =	wrdreg $0x0  }
0xa8: {  	s5 =	sshll.u32 s28, $0x1;
	[dreg:$0x2] =	wrdreg s3  }
0xa9: {  	[dreg:$0x3] =	wrdreg s5  }
0xaa: {  	[dreg:$0x4] =	wrdreg $0xC0  }
0xab: {  	_ =	task [dreg:s7], $0x5FFFF  }
0xac: {  	[dreg:$0x1] =	wrdreg $0xFFFFFFFF  }
0xad: {  	[dreg:$0x0] =	wrdreg $0x60  }
0xae: {  	[dreg:$0x2] =	wrdreg s2  }
0xaf: {  	[dreg:$0x3] =	wrdreg s24  }
0xb0: {  	[dreg:$0x4] =	wrdreg $0x41000  }
0xb1: {  	[dreg:$0x5] =	wrdreg $0x9  }
0xb2: {  	_ =	task.clear_ibuf [dreg:s7], $0x6FFFF;
	_ =	strace $0x90000046  }
0xb3: {  	s29 =	simm.s32 $0x9;
	_ =	strace $0x80000048  }
0xb4: {  	_ =	swait.ge [sflag:s29], $0x1  }
0xb5: {  	[sflag:s29] =	ssyncadd.s32 $0xFFFFFFFF  }
0xb6: {  	_ =	strace $0x90000048  }
0xb7: {  	_ =	sfence  }
0xb8: {  	s30 =	sld [smem:$0x0];
	_ =	sdelay $0x2  }
0xb9: {  	s31 =	sshll.u32 s1, $0xD;
	s1 =	sshrl.u32 s1, $0x2  }
0xba: {  	s3 =	sand.u32 $0x4000, s31;
	s1 =	sadd.s32 s1, s30  }
0xbb: {  	s0 =	sor.u32 s3, s0;
	s1 =	sshll.u32 s1, $0x11  }
0xbc: {  	s0 =	sor.u32 s1, s0  }
0xbd: {  	s0 =	sadd.s32 $0x8F2B, s0  }
0xbe: {  	[sflag:s0] =	ssyncadd.remote.s32 $0x1  }
0xbf: {  	_ =	sfence.sel $0xFFFF  }
0xc0: {  	[dreg:$0x0] =	wrdreg $0xFFFFFFFF;
	(pc) =	sbr.abs _section_cstart, $3  }
0xc1: {  	[dreg:$0x1] =	wrdreg $0xFFFFFFFF  }
0xc2: {  	_ =	task.clear_ibuf [dreg:s7], $0x2FFFF;
	_ =	strace $0x9FFFFFFF  }
0xc3: {  	(tm) =	ssettm $0x7FFFFFFF  }
tec
execute0_lowered:
.L_overlay_start_1:
0x0: {  	(tag) =	ssettag $0x1  }
0x1: {  	s1 =	rddreg [dreg:$0x0]  }
0x2: {  	s5 =	rddreg [dreg:$0x1]  }
0x3: {  	s2 =	rddreg [dreg:$0x2]  }
0x4: {  	s0 =	rddreg [dreg:$0x3];
	s3 =	simm.s32 $0x0  }
0x5: {  	s6 =	srdreg.scid;
	s4 =	stileid.u32;
	s20 =	simm.s32 $0x1  }
0x6: {  	s21 =	simm.s32 $0x17980;
	s22 =	simm.s32 $0x10;
	s23 =	simm.s32 $0x17A80  }
0x7: {  	s24 =	simm.s32 $0x17A00;
	[smem:$0x7FF] =	sst s3;
	s7 =	smul.u32 $0x4E000, s4  }
0x8: {  	s13 =	sadd.s32 $0xCC00, s5;
	s12 =	sadd.s32 $0x2E00, s5;
	s10 =	smul.u32 $0x2700, s4  }
0x9: {  	s8 =	sand.u32 $0x1, s6;
	s14 =	sadd.s32 $0x16A00, s5;
	s17 =	smul.u32 $0x13800, s4  }
0xa: {  	s15 =	sadd.s32 $0x124800, s2;
	s18 =	smul.u32 $0x4E20, s4;
	p0 =	seq.s32 s4, $0xF  }
0xb: {  	s25 =	sshll.u32 s4, $0x1;
	_ =	strace $0x80000047;
	s26 =	smul.u32 $0x138800, s8  }
0xc: {  	s9 =	ssub.s32 $0x2, s8;
	s6 =	sor.u32 s8, s25;
	s19 =	smul.u32 $0x2710, s8  }
0xd: {  	s25 =	simm.s32 $0x0;
	s11 =	sshrl.u32 s9, $0x1;
	s7 =	sshrl.u32 s7, $0x2  }
0xe: {  	s6 =	smul.u32 $0x2710, s6;
	s5 =	sadd.s32 s1, s10;
	s11 =	ssub.s32 s9, s11  }
0xf: {  	s16 =	sadd.s32 s7, s2;
	s17 =	sadd.s32 s17, s26;
	s9 =	sshrl.u32 s26, $0x3  }
0x10: {  	s31 =	sadd.s32 s19, s18;
	s18 =	simm.s32 $0x80;
	s19 =	simm.s32 $0x100  }
0x11: {  	s6 =	sshrl.u32 s6, $0x3;
	s29 =	sshrl.u32 s17, $0x3;
	s30 =	sadd.s32 s14, s9  }
0x12: {  	s11 =	smax.u32 s11, $0x1;
	s17 =	sshll.u32 @!p0 s4, $0x6;
	s16 =	sshrl.u32 @!p0 s16, $0x3  }
0x13: {  	s28 =	sadd.s32 $0x4E0, s6;
	s6 =	sadd.s32 $0x24900, s1;
	s9 =	sadd.s32 s14, s29  }
0x14: {  	s10 =	sadd.s32 $0x24900, s30;
	s14 =	sshrl.u32 s31, $0x3;
	s7 =	sadd.s32 s13, s28  }
0x15: {  	s8 =	sadd.s32 s12, s28;
	s12 =	sadd.s32 s14, s12;
	s13 =	sadd.s32 s14, s13  }
0x16: {  	s14 =	sshrl.u32 @p0 s15, $0x3;
	s15 =	sor.u32 @!p0 $0x1C02, s17;
	s17 =	simm.s32 $0x2  }
.LBB2_1:
0x17: {  	s26 =	simm.s32 @p0 $0x1FC2  }
0x18: {  	[spmem:s14], [sflag:s26] =	dma.local @p0 [hbm:s6], $0x2800  }
0x19: {  	s26 =	simm.s32 @p0 $0x2  }
0x1a: {  	_ =	swait.ge @p0 [sflag:s26], $0x2800  }
0x1b: {  	[sflag:s26] =	ssyncset.done @p0 $0x0  }
0x1c: {  	[sflag:s26] =	ssyncadd.s32 @p0 $0xFFFFD800;
	s26 =	simm.s32 @!p0 $0x2  }
0x1d: {  	[spmem:s16], [sflag:s15] =	dma.local @!p0 [hbm:s5], $0x2700  }
0x1e: {  	_ =	swait.ge @!p0 [sflag:s26], $0x2700  }
0x1f: {  	[sflag:s26] =	ssyncset.done @!p0 $0x0  }
0x20: {  	[sflag:s26] =	ssyncadd.s32 @!p0 $0xFFFFD900  }
0x21: {  	s30 =	sadd.s32 $0x0, s13;
	[bflag:$0x0] =	sbarrier.arrive $0xFFFF  }
0x22: {  	[tilespmem:s3], [sflag:$0x2] =	stream.linear.gather [hbm4b:s30+s3], $0x80, $0x38;
	[tilespmem:$0x18280] =	vst v63  }
0x23: {  	_ =	swait.ge [sflag:s17], $0x80  }
0x24: {  	[sflag:s17] =	ssyncset.done $0x0  }
0x25: {  	[sflag:s17] =	ssyncadd.s32 $0xFFFFFF80  }
0x26: {  	[tilespmem:s19], [sflag:$0x1] =	stream.indirect.gather [hbm4b:s1+s18], $0x80, s3, s18, $0xb8;
	[tilespmem:$0x18280] =	vst v63  }
0x27: {  	s31 =	sadd.s32 $0x0, s12  }
0x28: {  	[tilespmem:s18], [sflag:$0x2] =	stream.linear.gather [hbm4b:s31+s3], $0x80, $0x38;
	[tilespmem:$0x18280] =	vst v63  }
0x29: {  	_ =	swait.ge [sflag:s17], $0x80  }
0x2a: {  	[sflag:s17] =	ssyncset.done $0x0  }
0x2b: {  	[sflag:s17] =	ssyncadd.s32 $0xFFFFFF80  }
0x2c: {  	_ =	swait.ge [sflag:s20], $0x4000  }
0x2d: {  	[sflag:s20] =	ssyncset.done $0x0  }
0x2e: {  	[sflag:s20] =	ssyncadd.s32 $0xFFFFC000  }
0x2f: {  	[spmem:s2] =	stream.indirect.scatter.add.f32 [tilespmem:s19], [sflag:$0x2], $0x80, s18, s18, $0xb8;
	[tilespmem:$0x18280] =	vst v63  }
0x30: {  	_ =	swait.ge [sflag:s17], $0x4000  }
0x31: {  	s28 =	simm.s32 $0x20;
	s26 =	simm.s32 $0x10;
	[sflag:s17] =	ssyncset.done $0x0  }
.LBB2_2:
0x32: {  	s29 =	sadd.s32 s26, s13  }
0x33: {  	[sflag:s17] =	ssyncadd.s32 $0xFFFFC000;
	s30 =	smov.u32 s28;
	s31 =	sadd.s32 $0x10, s28  }
0x34: {  	[tilespmem:s3], [sflag:$0x2] =	stream.linear.gather [hbm4b:s29+s3], $0x80, $0x38;
	[tilespmem:$0x18280] =	vst v63  }
0x35: {  	p1 =	sne.s32 s28, $0x4D0;
	_ =	swait.ge [sflag:s17], $0x80  }
0x36: {  	[sflag:s17] =	ssyncset.done $0x0  }
0x37: {  	[sflag:s17] =	ssyncadd.s32 $0xFFFFFF80  }
0x38: {  	[tilespmem:s19], [sflag:$0x1] =	stream.indirect.gather [hbm4b:s1+s18], $0x80, s3, s18, $0xb8;
	[tilespmem:$0x18280] =	vst v63  }
0x39: {  	s28 =	sadd.s32 s26, s12;
	s26 =	smov.u32 s30  }
0x3a: {  	[tilespmem:s18], [sflag:$0x2] =	stream.linear.gather [hbm4b:s28+s3], $0x80, $0x38;
	[tilespmem:$0x18280] =	vst v63  }
0x3b: {  	_ =	swait.ge [sflag:s17], $0x80  }
0x3c: {  	[sflag:s17] =	ssyncset.done $0x0  }
0x3d: {  	[sflag:s17] =	ssyncadd.s32 $0xFFFFFF80  }
0x3e: {  	_ =	swait.ge [sflag:s20], $0x4000  }
.Ltmp0:
0x3f: {  	[sflag:s20] =	ssyncset.done $0x0;
	(pc) =	sbr.rel @p1 .LBB2_2-.Ltmp0, $4  }
0x40: {  	[sflag:s20] =	ssyncadd.s32 $0xFFFFC000  }
0x41: {  	[spmem:s2] =	stream.indirect.scatter.add.f32 [tilespmem:s19], [sflag:$0x2], $0x80, s18, s18, $0xb8;
	[tilespmem:$0x18280] =	vst v63  }
0x42: {  	_ =	swait.ge [sflag:s17], $0x4000  }
0x43: {  	s28 =	smov.u32 s31;
	[sflag:s17] =	ssyncset.done $0x0  }
0x44: {  	s28 =	sadd.s32 s26, s13;
	[sflag:s17] =	ssyncadd.s32 $0xFFFFC000  }
0x45: {  	[tilespmem:s3], [sflag:$0x2] =	stream.linear.gather [hbm4b:s28+s3], $0x80, $0x38;
	[tilespmem:$0x18280] =	vst v63  }
0x46: {  	_ =	swait.ge [sflag:s17], $0x80  }
0x47: {  	[sflag:s17] =	ssyncset.done $0x0  }
0x48: {  	[sflag:s17] =	ssyncadd.s32 $0xFFFFFF80  }
0x49: {  	[tilespmem:s19], [sflag:$0x1] =	stream.indirect.gather [hbm4b:s1+s18], $0x80, s3, s18, $0xb8;
	[tilespmem:$0x18280] =	vst v63  }
0x4a: {  	s31 =	sadd.s32 s26, s12  }
0x4b: {  	[tilespmem:s18], [sflag:$0x2] =	stream.linear.gather [hbm4b:s31+s3], $0x80, $0x38;
	[tilespmem:$0x18280] =	vst v63  }
0x4c: {  	_ =	swait.ge [sflag:s17], $0x80  }
0x4d: {  	[sflag:s17] =	ssyncset.done $0x0  }
0x4e: {  	[sflag:s17] =	ssyncadd.s32 $0xFFFFFF80  }
0x4f: {  	_ =	swait.ge [sflag:s20], $0x4000  }
0x50: {  	[sflag:s20] =	ssyncset.done $0x0  }
0x51: {  	[sflag:s20] =	ssyncadd.s32 $0xFFFFC000  }
0x52: {  	[spmem:s2] =	stream.indirect.scatter.add.f32 [tilespmem:s19], [sflag:$0x2], $0x80, s18, s18, $0xb8;
	[tilespmem:$0x18280] =	vst v63  }
0x53: {  	_ =	swait.ge [sflag:s17], $0x4000  }
0x54: {  	[sflag:s17] =	ssyncset.done $0x0  }
0x55: {  	[sflag:s17] =	ssyncadd.s32 $0xFFFFC000  }
0x56: {  	[tilespmem:s21], [sflag:$0x2] =	stream.linear.gather [hbm4b:s7+s3], $0x10, $0x38;
	[tilespmem:$0x18280] =	vst v63  }
0x57: {  	_ =	swait.ge [sflag:s17], $0x10  }
0x58: {  	[sflag:s17] =	ssyncset.done $0x0  }
0x59: {  	[sflag:s17] =	ssyncadd.s32 $0xFFFFFFF0  }
0x5a: {  	[tilespmem:s23], [sflag:$0x1] =	stream.indirect.gather [hbm4b:s1+s22], $0x80, s21, s22, $0xb8;
	[tilespmem:$0x18280] =	vst v63  }
0x5b: {  	_ = 	snop  }
0x5c: {  	[tilespmem:s24], [sflag:$0x2] =	stream.linear.gather [hbm4b:s8+s3], $0x10, $0x38;
	[tilespmem:$0x18280] =	vst v63  }
0x5d: {  	_ =	swait.ge [sflag:s17], $0x10  }
0x5e: {  	[sflag:s17] =	ssyncset.done $0x0  }
0x5f: {  	[sflag:s17] =	ssyncadd.s32 $0xFFFFFFF0  }
0x60: {  	_ =	swait.ge [sflag:s20], $0x800  }
0x61: {  	[sflag:s20] =	ssyncset.done $0x0  }
0x62: {  	[sflag:s20] =	ssyncadd.s32 $0xFFFFF800  }
0x63: {  	[spmem:s2] =	stream.indirect.scatter.add.f32 [tilespmem:s23], [sflag:$0x2], $0x80, s24, s22, $0xb8;
	[tilespmem:$0x18280] =	vst v63  }
0x64: {  	_ =	swait.ge [sflag:s17], $0x800  }
0x65: {  	[sflag:s17] =	ssyncset.done $0x0  }
0x66: {  	[sflag:s17] =	ssyncadd.s32 $0xFFFFF800  }
0x67: {  	s26 =	simm.s32 @p0 $0x1FC2;
	[bflag:$0x0] =	sbarrier.arrive $0xFFFF  }
0x68: {  	[hbm:s10], [sflag:s26] =	dma.local @p0 [spmem:s14], $0x2800  }
0x69: {  	s26 =	simm.s32 @p0 $0x2  }
0x6a: {  	s25 =	sadd.s32 $0x1, s25;
	_ =	swait.ge @p0 [sflag:s26], $0x2800  }
0x6b: {  	p1 =	sne.s32 s25, s11;
	[sflag:s26] =	ssyncset.done @p0 $0x0  }
.Ltmp1:
0x6c: {  	[sflag:s26] =	ssyncadd.s32 @p0 $0xFFFFD800;
	s26 =	simm.s32 @!p0 $0x2;
	(pc) =	sbr.rel @p1 .LBB2_1-.Ltmp1, $4  }
0x6d: {  	[hbm:s9], [sflag:s15] =	dma.local @!p0 [spmem:s16], $0x2700  }
0x6e: {  	_ =	swait.ge @!p0 [sflag:s26], $0x2700  }
0x6f: {  	[sflag:s26] =	ssyncset.done @!p0 $0x0  }
0x70: {  	[sflag:s26] =	ssyncadd.s32 @!p0 $0xFFFFD900  }
0x71: {  	_ =	sfence.sel $0x180000  }
0x72: {  	[bflag:$0x0] =	sbarrier.arrive $0xFFFF  }
0x73: {  	p0 =	sne.s32 s4, $0x0;
	_ =	strace $0x90000047  }
0x74: {  	s0 =	sadd.s32 @!p0 $0x100000, s0;
	[bflag:$0x2] =	sbarrier.arrive $0xFFFF  }
0x75: {  	[sflag:s0] =	ssyncadd.tile.s32 @!p0 $0x1;
	_ =	shalt  }
.Lfunc_end2:
_tile_overlayer_lowered:
.L_overlay_start_2:
0x76: {  	(tag) =	ssettag $0x2  }
0x77: {  	s0 =	rddreg [dreg:$0x0];
	s2 =	stileid.u32  }
0x78: {  	s1 =	rddreg [dreg:$0x1];
	p0 =	sne.s32 s2, $0x0  }
0x79: {  	s3 =	rddreg [dreg:$0x2];
	[bflag:$0x3] =	sbarrier.arrive $0xFFFF;
	s2 =	simm.s32 @!p0 $0x1C02  }
0x7a: {  	[timem:s3], [sflag:s2] =	dma.local @!p0 [hbm:s0], s1  }
0x7b: {  	s0 =	simm.s32 @!p0 $0x2  }
0x7c: {  	_ =	swait.ge @!p0 [sflag:s0], s1  }
0x7d: {  	s1 =	ssub.s32 @!p0 $0x0, s1;
	[sflag:s0] =	ssyncset.done @!p0 $0x0  }
0x7e: {  	[sflag:s0] =	ssyncadd.s32 @!p0 s1  }
0x7f: {  	[bflag:$0x3] =	sbarrier.arrive $0xFFFF  }
0x80: {  	_ =	shalt  }

// kernel: kernel.9.cloned.1.call-start
scs
__scs_entry_jumppad:
0x0: {  	(pc) =	sbr.rel $0x88, $3  }
0x1: {  	(tag) =	ssettag $0x0;
	lr =	simm.s32 $0x1  }
0x2: {  	[smem:$0x3F90] =	sst lr;
	_ =	strace $0xD0000000  }
0x3: {  	_ = 	snop  }
0x4: {  	_ = 	snop  }
0x5: {  	_ = 	snop  }
0x6: {  	_ = 	snop  }
0x7: {  	_ = 	snop  }
__scs_overlays_trampoline_lowered:
0x8: {  	[smem:$0x3F9F] =	sst s0  }
0x9: {  	[smem:$0x3FA0] =	sst s1  }
0xa: {  	[smem:$0x3FA1] =	sst s2  }
0xb: {  	[smem:$0x3FA2] =	sst s3  }
0xc: {  	[smem:$0x3FA3] =	sst s4  }
0xd: {  	[smem:$0x3FA4] =	sst s5  }
0xe: {  	[smem:$0x3FA5] =	sst s6  }
0xf: {  	[smem:$0x3FA6] =	sst s7  }
0x10: {  	[smem:$0x3FA7] =	sst s8  }
0x11: {  	[smem:$0x3FA8] =	sst s9;
	s0 =	simm.s32 @!p0 $0x0  }
0x12: {  	s1 =	sld [smem:$0x3F8E];
	s0 =	simm.s32 @p0 $0x1  }
0x13: {  	[smem:$0x3FA9] =	sst s0;
	s0 =	simm.s32 @!p1 $0x0  }
0x14: {  	s2 =	sld [smem:$0x3F8D];
	s0 =	simm.s32 @p1 $0x1  }
0x15: {  	[smem:$0x3FAA] =	sst s0;
	s0 =	simm.s32 @!p2 $0x0  }
0x16: {  	s3 =	sld [smem:$0x3FDB];
	s0 =	simm.s32 @p2 $0x1  }
0x17: {  	s4 =	simm.s32 $0x1BF5;
	[smem:$0x3FAC] =	sst s0  }
0x18: {  	s0 =	sld [smem:$0x3F8F];
	_ =	swait.ge [sflag:s4], $0x0  }
0x19: {  	s7 =	sld [smem:$0x3F90]  }
0x1a: {  	s8 =	sadd.s32 $0xFFFFE003, lr  }
0x1b: {  	s9 =	sadd.s32 $0xFFFFFEF7, lr;
	s5 =	simm.s32 $0xFFFFFFFF;
	p2 =	slt.u32 s8, $0xFFFFF086  }
0x1c: {  	p1 =	slt.u32 s9, $0xF7A;
	s5 =	simm.s32 @!p2 $0x0  }
0x1d: {  	s5 =	simm.s32 @p1 $0x1;
	p0 =	seq.s32 s7, s2  }
0x1e: {  	s7 =	smul.u32 @!p0 $0xF7A, s2;
	p2 =	seq.s32 @!p0 s5, $0x0  }
0x1f: {  	s9 =	smul.u32 $0xF7A, s1;
	s8 =	simm.s32 @!p0 $0x1BF5;
	p2 =	por !p2, p0  }
0x20: {  	[sflag:s8] =	ssyncset.s32 @!p0 $0xFFFFF086;
	s6 =	sadd.s32 @!p0 s3, s7;
	s7 =	simm.s32 @!p0 $0x108  }
0x21: {  	s3 =	sadd.s32 s3, s9;
	s6 =	sadd.s32 @!p0 $0x88, s6;
	s7 =	simm.s32 @p2 $0x1082  }
0x22: {  	[simem:s7], [sflag:s8] =	dma.local @!p0 [hbm:s6], $0xF7A  }
0x23: {  	s9 =	sor.u32 $0xD0000000, s2;
	s6 =	simm.s32 $0x108;
	_ =	swait.ge @!p0 [sflag:s8], $0x0  }
0x24: {  	s3 =	sadd.s32 $0x88, s3;
	s6 =	simm.s32 @!p1 $0x1082;
	[sflag:s4] =	ssyncset.s32 $0xFFFFF086  }
0x25: {  	[simem:s6], [sflag:s4] =	dma.local [hbm:s3], $0xF7A  }
0x26: {  	[smem:$0x3F90] =	sst s1;
	(tag) =	ssettag s2;
	_ =	strace s9  }
0x27: {  	s1 =	sld [smem:$0x3FA0]  }
0x28: {  	s2 =	sld [smem:$0x3FA1]  }
0x29: {  	s4 =	sld [smem:$0x3FA3]  }
0x2a: {  	p0 =	seq.s32 s5, $0x0;
	s5 =	sld [smem:$0x3FA4]  }
0x2b: {  	s6 =	sld [smem:$0x3FA5]  }
0x2c: {  	s7 =	sld [smem:$0x3FA6]  }
0x2d: {  	s3 =	simm.s32 $0x108;
	s8 =	sld [smem:$0x3FA7]  }
0x2e: {  	s3 =	simm.s32 @!p0 $0x1082;
	s9 =	sld [smem:$0x3FA8]  }
0x2f: {  	lr =	sadd.s32 s0, s3;
	s0 =	sld [smem:$0x3F9F]  }
0x30: {  	s3 =	sld [smem:$0x3FA2]  }
0x31: {  	[smem:$0x3FAB] =	sst s10  }
0x32: {  	s10 =	sld [smem:$0x3FA9];
	_ =	sdelay $0x3  }
0x33: {  	p0 =	seq.s32 s10, $0x1;
	s10 =	sld [smem:$0x3FAB];
	_ =	sdelay $0x3  }
0x34: {  	[smem:$0x3FAB] =	sst s10  }
0x35: {  	s10 =	sld [smem:$0x3FAA];
	_ =	sdelay $0x3  }
0x36: {  	p1 =	seq.s32 s10, $0x1;
	s10 =	sld [smem:$0x3FAB];
	_ =	sdelay $0x3  }
0x37: {  	[smem:$0x3FAB] =	sst s10  }
0x38: {  	s10 =	sld [smem:$0x3FAC]  }
0x39: {  	_ = 	snop;
	(pc) =	sbr.ind lr, $3  }
0x3a: {  	_ = 	snop  }
0x3b: {  	_ = 	snop  }
0x3c: {  	p2 =	seq.s32 s10, $0x1;
	s10 =	sld [smem:$0x3FAB]  }
0x3d: {  	_ =	shalt  }
0x3e: {  	_ =	shalt  }
0x3f: {  	_ =	shalt  }
0x40: {  	_ =	shalt  }
0x41: {  	_ =	shalt  }
0x42: {  	_ =	shalt  }
0x43: {  	_ =	shalt  }
0x44: {  	_ =	shalt  }
0x45: {  	_ =	shalt  }
0x46: {  	_ =	shalt  }
0x47: {  	_ =	shalt  }
0x48: {  	_ =	shalt  }
0x49: {  	_ =	shalt  }
0x4a: {  	_ =	shalt  }
0x4b: {  	_ =	shalt  }
0x4c: {  	_ =	shalt  }
0x4d: {  	_ =	shalt  }
0x4e: {  	_ =	shalt  }
0x4f: {  	_ =	shalt  }
0x50: {  	_ =	shalt  }
0x51: {  	_ =	shalt  }
0x52: {  	_ =	shalt  }
0x53: {  	_ =	shalt  }
0x54: {  	_ =	shalt  }
0x55: {  	_ =	shalt  }
0x56: {  	_ =	shalt  }
0x57: {  	_ =	shalt  }
0x58: {  	_ =	shalt  }
0x59: {  	_ =	shalt  }
0x5a: {  	_ =	shalt  }
0x5b: {  	_ =	shalt  }
0x5c: {  	_ =	shalt  }
0x5d: {  	_ =	shalt  }
0x5e: {  	_ =	shalt  }
0x5f: {  	_ =	shalt  }
0x60: {  	_ =	shalt  }
0x61: {  	_ =	shalt  }
0x62: {  	_ =	shalt  }
0x63: {  	_ =	shalt  }
0x64: {  	_ =	shalt  }
0x65: {  	_ =	shalt  }
0x66: {  	_ =	shalt  }
0x67: {  	_ =	shalt  }
0x68: {  	_ =	shalt  }
0x69: {  	_ =	shalt  }
0x6a: {  	_ =	shalt  }
0x6b: {  	_ =	shalt  }
0x6c: {  	_ =	shalt  }
0x6d: {  	_ =	shalt  }
0x6e: {  	_ =	shalt  }
0x6f: {  	_ =	shalt  }
0x70: {  	_ =	shalt  }
0x71: {  	_ =	shalt  }
0x72: {  	_ =	shalt  }
0x73: {  	_ =	shalt  }
0x74: {  	_ =	shalt  }
0x75: {  	_ =	shalt  }
0x76: {  	_ =	shalt  }
0x77: {  	_ =	shalt  }
0x78: {  	_ =	shalt  }
0x79: {  	_ =	shalt  }
0x7a: {  	_ =	shalt  }
0x7b: {  	_ =	shalt  }
0x7c: {  	_ =	shalt  }
0x7d: {  	_ =	shalt  }
0x7e: {  	_ =	shalt  }
0x7f: {  	_ =	shalt  }
0x80: {  	_ =	shalt  }
0x81: {  	_ =	shalt  }
0x82: {  	_ =	shalt  }
0x83: {  	_ =	shalt  }
0x84: {  	_ =	shalt  }
0x85: {  	_ =	shalt  }
0x86: {  	_ =	shalt  }
0x87: {  	_ =	shalt  }
.Lfunc_end0:
.L_simem_size_0:
called_computation.1_lowered:
.L_overlay_start_0:
0x88: {  	s2 =	sld [smem:$0x3FD9]  }
0x89: {  	s3 =	sld [smem:$0x3FFE];
	_ =	sdelay $0x1  }
0x8a: {  	s1 =	srdreg.scid  }
0x8b: {  	s0 =	sand.u32 $0x1, s1  }
0x8c: {  	s16 =	sshll.u32 s0, $0xA;
	s2 =	sadd.s32 s3, s2  }
0x8d: {  	s2 =	sadd.s32 s2, s16  }
0x8e: {  	[smem:$0x3FB7] =	sst s2  }
0x8f: {  	_ = 	snop  }
0x90: {  	(tm) =	ssettm $0x1  }
0x91: {  	s17 =	sld [smem:$0x3FFB];
	_ =	sdelay $0x3  }
0x92: {  	_ =	strace s17  }
0x93: {  	s2 =	sld [smem:$0x3FFC];
	_ =	sdelay $0x3  }
0x94: {  	_ =	strace s2  }
0x95: {  	s2 =	sld [smem:$0x3FFD];
	_ =	sdelay $0x3  }
0x96: {  	_ =	strace s2  }
0x97: {  	_ =	strace $0x8FFFFFFF  }
0x98: {  	s18 =	sld [smem:$0x3FDB];
	_ =	sdelay $0x1  }
0x99: {  	s19 =	simm.s32 $_scs_section_size  }
0x9a: {  	s4 =	simm.s32 $_size__tile_overlayer_lowered;
	s5 =	simm.s32 $_tile_overlayer_lowered  }
0x9b: {  	s22 =	simm.s32 $0x1BFF;
	s21 =	sshll.u32 s5, $0x1;
	s2 =	sadd.s32 s19, s18  }
0x9c: {  	s6 =	simm.s32 $0x0;
	s20 =	sshll.u32 s4, $0x1;
	s4 =	sadd.s32 s21, s2  }
0x9d: {  	[timem:s6], [sflag:s22] =	dma.local [hbm:s4], s20  }
0x9e: {  	_ =	swait.ge [sflag:s22], s20  }
0x9f: {  	s3 =	ssub.s32 $0x0, s20;
	[sflag:s22] =	ssyncset.done $0x0  }
0xa0: {  	[sflag:s22] =	ssyncadd.s32 s3;
	_ =	sdelay $0x1  }
0xa1: {  	s23 =	simm.s32 $0x1B8B  }
0xa2: {  	_ =	swait.ge [sflag:s23], $0x1  }
0xa3: {  	[sflag:s23] =	ssyncset.done $0x0  }
0xa4: {  	s25 =	simm.s32 $0x1B8E;
	s24 =	sld [smem:$0x3FFE];
	[sflag:s23] =	ssyncadd.s32 $0xFFFFFFFF  }
0xa5: {  	s26 =	simm.s32 $execute0_lowered;
	[smem:$0x3FD2] =	sst s25  }
0xa6: {  	s4 =	sshll.u32 s26, $0x1;
	_ =	strace $0x80000049;
	[dreg:$0x1] =	wrdreg $0xFFFFFFFF  }
0xa7: {  	s28 =	simm.s32 $_size_execute0_lowered;
	s2 =	sadd.s32 s2, s4;
	[dreg:$0x0] =	wrdreg $0x0  }
0xa8: {  	s4 =	sshll.u32 s28, $0x1;
	[dreg:$0x2] =	wrdreg s2  }
0xa9: {  	[dreg:$0x3] =	wrdreg s4  }
0xaa: {  	[dreg:$0x4] =	wrdreg $0xC0  }
0xab: {  	_ =	task [dreg:s6], $0x5FFFF  }
0xac: {  	[dreg:$0x1] =	wrdreg $0xFFFFFFFF  }
0xad: {  	[dreg:$0x0] =	wrdreg $0x60  }
0xae: {  	[dreg:$0x2] =	wrdreg s24  }
0xaf: {  	[dreg:$0x3] =	wrdreg $0x41000  }
0xb0: {  	[dreg:$0x4] =	wrdreg $0x9  }
0xb1: {  	_ =	task.clear_ibuf [dreg:s6], $0x5FFFF;
	_ =	strace $0x90000049  }
0xb2: {  	s29 =	simm.s32 $0x9;
	_ =	strace $0x8000004B  }
0xb3: {  	_ =	swait.ge [sflag:s29], $0x1  }
0xb4: {  	[sflag:s29] =	ssyncadd.s32 $0xFFFFFFFF  }
0xb5: {  	_ =	strace $0x9000004B  }
0xb6: {  	_ =	sfence  }
0xb7: {  	s30 =	sld [smem:$0x0];
	_ =	sdelay $0x2  }
0xb8: {  	s31 =	sshll.u32 s1, $0xD;
	s1 =	sshrl.u32 s1, $0x2  }
0xb9: {  	s3 =	sand.u32 $0x4000, s31;
	s1 =	sadd.s32 s1, s30  }
0xba: {  	s0 =	sor.u32 s3, s0;
	s1 =	sshll.u32 s1, $0x11  }
0xbb: {  	s0 =	sor.u32 s1, s0  }
0xbc: {  	s0 =	sadd.s32 $0x8F2B, s0  }
0xbd: {  	[sflag:s0] =	ssyncadd.remote.s32 $0x1  }
0xbe: {  	_ =	sfence.sel $0xFFFF  }
0xbf: {  	[dreg:$0x0] =	wrdreg $0xFFFFFFFF;
	(pc) =	sbr.abs _section_cstart, $3  }
0xc0: {  	[dreg:$0x1] =	wrdreg $0xFFFFFFFF  }
0xc1: {  	_ =	task.clear_ibuf [dreg:s6], $0x2FFFF;
	_ =	strace $0x9FFFFFFF  }
0xc2: {  	(tm) =	ssettm $0x7FFFFFFF  }
0xc3: {  	_ =	shalt  }
tec
execute0_lowered:
.L_overlay_start_1:
0x0: {  	(tag) =	ssettag $0x1  }
0x1: {  	s6 =	rddreg [dreg:$0x0]  }
0x2: {  	s1 =	rddreg [dreg:$0x1]  }
0x3: {  	s0 =	rddreg [dreg:$0x2];
	s2 =	simm.s32 $0x0;
	s5 =	srdreg.scid  }
0x4: {  	s3 =	stileid.u32;
	s20 =	simm.s32 $0x1;
	s21 =	simm.s32 $0x17980  }
0x5: {  	s22 =	simm.s32 $0x10;
	s23 =	simm.s32 $0x17A80;
	[smem:$0x7FF] =	sst s2  }
0x6: {  	s4 =	sadd.s32 $0x16A00, s6;
	s13 =	sadd.s32 $0xCC00, s6;
	s7 =	smul.u32 $0x4E000, s3  }
0x7: {  	s12 =	sadd.s32 $0x2E00, s6;
	s8 =	sand.u32 $0x1, s5;
	s10 =	smul.u32 $0x2700, s3  }
0x8: {  	s24 =	sshll.u32 s3, $0x1;
	s15 =	sadd.s32 $0x3DC00, s6;
	s17 =	smul.u32 $0x13800, s3  }
0x9: {  	s6 =	sadd.s32 $0x3B300, s6;
	s18 =	smul.u32 $0x4E20, s3;
	p0 =	seq.s32 s3, $0xF  }
0xa: {  	_ =	strace $0x8000004A;
	s9 =	ssub.s32 $0x2, s8;
	s26 =	smul.u32 $0x138800, s8  }
0xb: {  	s5 =	sor.u32 s8, s24;
	s19 =	smul.u32 $0x2710, s8;
	s24 =	simm.s32 $0x17A00  }
0xc: {  	s11 =	sshrl.u32 s9, $0x1;
	s7 =	sshrl.u32 s7, $0x2;
	s14 =	smul.u32 $0x2710, s5  }
0xd: {  	s5 =	sadd.s32 s4, s10;
	s11 =	ssub.s32 s9, s11;
	s16 =	sadd.s32 s7, s1  }
0xe: {  	s17 =	sadd.s32 s17, s26;
	s9 =	sshrl.u32 s26, $0x3;
	s31 =	sadd.s32 s19, s18  }
0xf: {  	s18 =	simm.s32 $0x80;
	s19 =	simm.s32 $0x100;
	s25 =	sshrl.u32 s14, $0x3  }
0x10: {  	s14 =	sadd.s32 $0x124800, s1;
	s29 =	sshrl.u32 s17, $0x3;
	s30 =	sadd.s32 s15, s9  }
0x11: {  	s11 =	smax.u32 s11, $0x1;
	s16 =	sshrl.u32 @!p0 s16, $0x3;
	s17 =	simm.s32 $0x2  }
0x12: {  	s28 =	sadd.s32 $0x4E0, s25;
	s9 =	sadd.s32 s15, s29;
	s10 =	sadd.s32 $0x24900, s30  }
0x13: {  	s15 =	sshrl.u32 s31, $0x3;
	s7 =	sadd.s32 s13, s28;
	s8 =	sadd.s32 s12, s28  }
0x14: {  	s12 =	sadd.s32 s15, s12;
	s13 =	sadd.s32 s15, s13;
	s15 =	sshll.u32 @!p0 s3, $0x6  }
0x15: {  	s14 =	sshrl.u32 @p0 s14, $0x3;
	s25 =	simm.s32 $0x0;
	s15 =	sor.u32 @!p0 $0x1C02, s15  }
.LBB2_1:
0x16: {  	s26 =	simm.s32 @p0 $0x1FC2  }
0x17: {  	[spmem:s14], [sflag:s26] =	dma.local @p0 [hbm:s6], $0x2800  }
0x18: {  	s26 =	simm.s32 @p0 $0x2  }
0x19: {  	_ =	swait.ge @p0 [sflag:s26], $0x2800  }
0x1a: {  	[sflag:s26] =	ssyncset.done @p0 $0x0  }
0x1b: {  	[sflag:s26] =	ssyncadd.s32 @p0 $0xFFFFD800;
	s26 =	simm.s32 @!p0 $0x2  }
0x1c: {  	[spmem:s16], [sflag:s15] =	dma.local @!p0 [hbm:s5], $0x2700  }
0x1d: {  	_ =	swait.ge @!p0 [sflag:s26], $0x2700  }
0x1e: {  	[sflag:s26] =	ssyncset.done @!p0 $0x0  }
0x1f: {  	[sflag:s26] =	ssyncadd.s32 @!p0 $0xFFFFD900  }
0x20: {  	s30 =	sadd.s32 $0x0, s13;
	[bflag:$0x0] =	sbarrier.arrive $0xFFFF  }
0x21: {  	[tilespmem:s2], [sflag:$0x2] =	stream.linear.gather [hbm4b:s30+s2], $0x80, $0x38;
	[tilespmem:$0x18280] =	vst v63  }
0x22: {  	_ =	swait.ge [sflag:s17], $0x80  }
0x23: {  	[sflag:s17] =	ssyncset.done $0x0  }
0x24: {  	[sflag:s17] =	ssyncadd.s32 $0xFFFFFF80  }
0x25: {  	[tilespmem:s19], [sflag:$0x1] =	stream.indirect.gather [hbm4b:s4+s18], $0x80, s2, s18, $0xb8;
	[tilespmem:$0x18280] =	vst v63  }
0x26: {  	s31 =	sadd.s32 $0x0, s12  }
0x27: {  	[tilespmem:s18], [sflag:$0x2] =	stream.linear.gather [hbm4b:s31+s2], $0x80, $0x38;
	[tilespmem:$0x18280] =	vst v63  }
0x28: {  	_ =	swait.ge [sflag:s17], $0x80  }
0x29: {  	[sflag:s17] =	ssyncset.done $0x0  }
0x2a: {  	[sflag:s17] =	ssyncadd.s32 $0xFFFFFF80  }
0x2b: {  	_ =	swait.ge [sflag:s20], $0x4000  }
0x2c: {  	[sflag:s20] =	ssyncset.done $0x0  }
0x2d: {  	[sflag:s20] =	ssyncadd.s32 $0xFFFFC000  }
0x2e: {  	[spmem:s1] =	stream.indirect.scatter.add.f32 [tilespmem:s19], [sflag:$0x2], $0x80, s18, s18, $0xb8;
	[tilespmem:$0x18280] =	vst v63  }
0x2f: {  	_ =	swait.ge [sflag:s17], $0x4000  }
0x30: {  	s28 =	simm.s32 $0x20;
	s26 =	simm.s32 $0x10;
	[sflag:s17] =	ssyncset.done $0x0  }
.LBB2_2:
0x31: {  	s29 =	sadd.s32 s26, s13  }
0x32: {  	[sflag:s17] =	ssyncadd.s32 $0xFFFFC000;
	s30 =	smov.u32 s28;
	s31 =	sadd.s32 $0x10, s28  }
0x33: {  	[tilespmem:s2], [sflag:$0x2] =	stream.linear.gather [hbm4b:s29+s2], $0x80, $0x38;
	[tilespmem:$0x18280] =	vst v63  }
0x34: {  	p1 =	sne.s32 s28, $0x4D0;
	_ =	swait.ge [sflag:s17], $0x80  }
0x35: {  	[sflag:s17] =	ssyncset.done $0x0  }
0x36: {  	[sflag:s17] =	ssyncadd.s32 $0xFFFFFF80  }
0x37: {  	[tilespmem:s19], [sflag:$0x1] =	stream.indirect.gather [hbm4b:s4+s18], $0x80, s2, s18, $0xb8;
	[tilespmem:$0x18280] =	vst v63  }
0x38: {  	s28 =	sadd.s32 s26, s12;
	s26 =	smov.u32 s30  }
0x39: {  	[tilespmem:s18], [sflag:$0x2] =	stream.linear.gather [hbm4b:s28+s2], $0x80, $0x38;
	[tilespmem:$0x18280] =	vst v63  }
0x3a: {  	_ =	swait.ge [sflag:s17], $0x80  }
0x3b: {  	[sflag:s17] =	ssyncset.done $0x0  }
0x3c: {  	[sflag:s17] =	ssyncadd.s32 $0xFFFFFF80  }
0x3d: {  	_ =	swait.ge [sflag:s20], $0x4000  }
.Ltmp0:
0x3e: {  	[sflag:s20] =	ssyncset.done $0x0;
	(pc) =	sbr.rel @p1 .LBB2_2-.Ltmp0, $4  }
0x3f: {  	[sflag:s20] =	ssyncadd.s32 $0xFFFFC000  }
0x40: {  	[spmem:s1] =	stream.indirect.scatter.add.f32 [tilespmem:s19], [sflag:$0x2], $0x80, s18, s18, $0xb8;
	[tilespmem:$0x18280] =	vst v63  }
0x41: {  	_ =	swait.ge [sflag:s17], $0x4000  }
0x42: {  	s28 =	smov.u32 s31;
	[sflag:s17] =	ssyncset.done $0x0  }
0x43: {  	s28 =	sadd.s32 s26, s13;
	[sflag:s17] =	ssyncadd.s32 $0xFFFFC000  }
0x44: {  	[tilespmem:s2], [sflag:$0x2] =	stream.linear.gather [hbm4b:s28+s2], $0x80, $0x38;
	[tilespmem:$0x18280] =	vst v63  }
0x45: {  	_ =	swait.ge [sflag:s17], $0x80  }
0x46: {  	[sflag:s17] =	ssyncset.done $0x0  }
0x47: {  	[sflag:s17] =	ssyncadd.s32 $0xFFFFFF80  }
0x48: {  	[tilespmem:s19], [sflag:$0x1] =	stream.indirect.gather [hbm4b:s4+s18], $0x80, s2, s18, $0xb8;
	[tilespmem:$0x18280] =	vst v63  }
0x49: {  	s31 =	sadd.s32 s26, s12  }
0x4a: {  	[tilespmem:s18], [sflag:$0x2] =	stream.linear.gather [hbm4b:s31+s2], $0x80, $0x38;
	[tilespmem:$0x18280] =	vst v63  }
0x4b: {  	_ =	swait.ge [sflag:s17], $0x80  }
0x4c: {  	[sflag:s17] =	ssyncset.done $0x0  }
0x4d: {  	[sflag:s17] =	ssyncadd.s32 $0xFFFFFF80  }
0x4e: {  	_ =	swait.ge [sflag:s20], $0x4000  }
0x4f: {  	[sflag:s20] =	ssyncset.done $0x0  }
0x50: {  	[sflag:s20] =	ssyncadd.s32 $0xFFFFC000  }
0x51: {  	[spmem:s1] =	stream.indirect.scatter.add.f32 [tilespmem:s19], [sflag:$0x2], $0x80, s18, s18, $0xb8;
	[tilespmem:$0x18280] =	vst v63  }
0x52: {  	_ =	swait.ge [sflag:s17], $0x4000  }
0x53: {  	[sflag:s17] =	ssyncset.done $0x0  }
0x54: {  	[sflag:s17] =	ssyncadd.s32 $0xFFFFC000  }
0x55: {  	[tilespmem:s21], [sflag:$0x2] =	stream.linear.gather [hbm4b:s7+s2], $0x10, $0x38;
	[tilespmem:$0x18280] =	vst v63  }
0x56: {  	_ =	swait.ge [sflag:s17], $0x10  }
0x57: {  	[sflag:s17] =	ssyncset.done $0x0  }
0x58: {  	[sflag:s17] =	ssyncadd.s32 $0xFFFFFFF0  }
0x59: {  	[tilespmem:s23], [sflag:$0x1] =	stream.indirect.gather [hbm4b:s4+s22], $0x80, s21, s22, $0xb8;
	[tilespmem:$0x18280] =	vst v63  }
0x5a: {  	_ = 	snop  }
0x5b: {  	[tilespmem:s24], [sflag:$0x2] =	stream.linear.gather [hbm4b:s8+s2], $0x10, $0x38;
	[tilespmem:$0x18280] =	vst v63  }
0x5c: {  	_ =	swait.ge [sflag:s17], $0x10  }
0x5d: {  	[sflag:s17] =	ssyncset.done $0x0  }
0x5e: {  	[sflag:s17] =	ssyncadd.s32 $0xFFFFFFF0  }
0x5f: {  	_ =	swait.ge [sflag:s20], $0x800  }
0x60: {  	[sflag:s20] =	ssyncset.done $0x0  }
0x61: {  	[sflag:s20] =	ssyncadd.s32 $0xFFFFF800  }
0x62: {  	[spmem:s1] =	stream.indirect.scatter.add.f32 [tilespmem:s23], [sflag:$0x2], $0x80, s24, s22, $0xb8;
	[tilespmem:$0x18280] =	vst v63  }
0x63: {  	_ =	swait.ge [sflag:s17], $0x800  }
0x64: {  	[sflag:s17] =	ssyncset.done $0x0  }
0x65: {  	[sflag:s17] =	ssyncadd.s32 $0xFFFFF800  }
0x66: {  	s26 =	simm.s32 @p0 $0x1FC2;
	[bflag:$0x0] =	sbarrier.arrive $0xFFFF  }
0x67: {  	[hbm:s10], [sflag:s26] =	dma.local @p0 [spmem:s14], $0x2800  }
0x68: {  	s26 =	simm.s32 @p0 $0x2  }
0x69: {  	s25 =	sadd.s32 $0x1, s25;
	_ =	swait.ge @p0 [sflag:s26], $0x2800  }
0x6a: {  	p1 =	sne.s32 s25, s11;
	[sflag:s26] =	ssyncset.done @p0 $0x0  }
.Ltmp1:
0x6b: {  	[sflag:s26] =	ssyncadd.s32 @p0 $0xFFFFD800;
	s26 =	simm.s32 @!p0 $0x2;
	(pc) =	sbr.rel @p1 .LBB2_1-.Ltmp1, $4  }
0x6c: {  	[hbm:s9], [sflag:s15] =	dma.local @!p0 [spmem:s16], $0x2700  }
0x6d: {  	_ =	swait.ge @!p0 [sflag:s26], $0x2700  }
0x6e: {  	[sflag:s26] =	ssyncset.done @!p0 $0x0  }
0x6f: {  	[sflag:s26] =	ssyncadd.s32 @!p0 $0xFFFFD900  }
0x70: {  	_ =	sfence.sel $0x180000  }
0x71: {  	[bflag:$0x0] =	sbarrier.arrive $0xFFFF  }
0x72: {  	p0 =	sne.s32 s3, $0x0;
	_ =	strace $0x9000004A  }
0x73: {  	s0 =	sadd.s32 @!p0 $0x100000, s0;
	[bflag:$0x2] =	sbarrier.arrive $0xFFFF  }
0x74: {  	[sflag:s0] =	ssyncadd.tile.s32 @!p0 $0x1;
	_ =	shalt  }
.Lfunc_end2:
_tile_overlayer_lowered:
.L_overlay_start_2:
0x75: {  	(tag) =	ssettag $0x2  }
0x76: {  	s0 =	rddreg [dreg:$0x0];
	s2 =	stileid.u32  }
0x77: {  	s1 =	rddreg [dreg:$0x1];
	p0 =	sne.s32 s2, $0x0  }
0x78: {  	s3 =	rddreg [dreg:$0x2];
	[bflag:$0x3] =	sbarrier.arrive $0xFFFF;
	s2 =	simm.s32 @!p0 $0x1C02  }
0x79: {  	[timem:s3], [sflag:s2] =	dma.local @!p0 [hbm:s0], s1  }
0x7a: {  	s0 =	simm.s32 @!p0 $0x2  }
0x7b: {  	_ =	swait.ge @!p0 [sflag:s0], s1  }
0x7c: {  	s1 =	ssub.s32 @!p0 $0x0, s1;
	[sflag:s0] =	ssyncset.done @!p0 $0x0  }
0x7d: {  	[sflag:s0] =	ssyncadd.s32 @!p0 s1  }
0x7e: {  	[bflag:$0x3] =	sbarrier.arrive $0xFFFF  }
0x7f: {  	_ =	shalt  }

</sc_bundles>
